<compile_context>
chip_gen: v7x
topology: tpu7x:2x2x1
jax: 0.10.2.dev20260603
libtpu: 0.0.44.dev20260713+nightly
codegen_flags: <defaults>
</compile_context>

<pallas_src>
import functools

import jax
import jax.numpy as jnp
from jax import lax
from jax.experimental import pallas as pl
from jax.experimental.pallas import tpu as pltpu
from jax.experimental.pallas import tpu_sc as plsc

N = 100000
NUM_EMBEDS = 118
D_IN = 128
DZ = 352
D_OUT = D_IN + DZ
CHUNK = 256
HALF = 128
NW = 32
NCH_HI = 13
NCH_LO = 12
NW_HI = 390 - NW * NCH_LO
RPW_HI = NCH_HI * CHUNK
RPW_LO = NCH_LO * CHUNK
ZPAD = NW_HI * RPW_HI + (NW - NW_HI - 1) * RPW_LO + RPW_HI
TAIL = N - (N // CHUNK) * CHUNK
TAIL_BASE = (N // CHUNK) * CHUNK
BT = 1024


def _fuse_body(t_ref, w_ref, o_ref):
    scale = 1.0 / jnp.sqrt(jnp.float32(D_IN))
    o_ref[...] = jnp.dot(
        t_ref[...], w_ref[...], preferred_element_type=jnp.float32
    ) * scale


def _fused_table(table_p, w):
    return pl.pallas_call(
        _fuse_body,
        out_shape=jax.ShapeDtypeStruct((D_IN, D_IN), jnp.float32),
    )(table_p, w)


@functools.partial(
    pl.kernel,
    mesh=plsc.VectorSubcoreMesh(core_axis_name="c", subcore_axis_name="s"),
    out_type=jax.ShapeDtypeStruct((N, D_IN), jnp.float32),
    scratch_types=[
        pltpu.VMEM((RPW_HI,), jnp.int32),
        pltpu.VMEM_SHARED((D_IN, D_IN), jnp.float32),
        pltpu.VMEM((CHUNK, D_IN), jnp.float32),
        pltpu.VMEM((CHUNK, D_IN), jnp.float32),
        pltpu.VMEM((TAIL, D_IN), jnp.float32),
        pltpu.SemaphoreType.DMA,
        pltpu.SemaphoreType.DMA,
        pltpu.SemaphoreType.DMA,
        pltpu.SemaphoreType.DMA,
        pltpu.SemaphoreType.DMA,
    ],
)
def _sc_gather(z_hbm, fused_hbm, out_hbm,
               idx_v, fused_v, r0, r1, rt, g0, g1, w0, w1, ts):
    rows = [r0, r1]
    gs = [g0, g1]
    ws = [w0, w1]

    wid = lax.axis_index("s") * 2 + lax.axis_index("c")
    is_hi = wid < NW_HI
    wbase = jnp.where(is_hi, wid * RPW_HI,
                      NW_HI * RPW_HI + (wid - NW_HI) * RPW_LO)
    pltpu.sync_copy(z_hbm.at[pl.ds(wbase, RPW_HI)], idx_v)
    pltpu.sync_copy(fused_hbm, fused_v)

    bases = [wbase + j * CHUNK for j in range(NCH_HI)]
    full = [bases[j] + CHUNK <= N for j in range(NCH_HI)]
    valid_full = [full[j] if j < NCH_LO
                  else jnp.logical_and(is_hi, full[j])
                  for j in range(NCH_HI)]

    def fire_gather(j):
        p = j % 2
        pltpu.async_copy(
            fused_v.at[idx_v.at[pl.ds(j * CHUNK, HALF)]],
            rows[p].at[pl.ds(0, HALF)], gs[p])
        pltpu.async_copy(
            fused_v.at[idx_v.at[pl.ds(j * CHUNK + HALF, HALF)]],
            rows[p].at[pl.ds(HALF, HALF)], gs[p])

    def wait_gather(j):
        p = j % 2
        pltpu.make_async_copy(
            fused_v.at[idx_v.at[pl.ds(j * CHUNK, HALF)]],
            rows[p].at[pl.ds(0, HALF)], gs[p]).wait()
        pltpu.make_async_copy(
            fused_v.at[idx_v.at[pl.ds(j * CHUNK + HALF, HALF)]],
            rows[p].at[pl.ds(HALF, HALF)], gs[p]).wait()

    def fire_write(j):
        p = j % 2
        pltpu.async_copy(rows[p], out_hbm.at[pl.ds(bases[j], CHUNK)], ws[p])

    def wait_write(j):
        p = j % 2
        pltpu.make_async_copy(
            rows[p], out_hbm.at[pl.ds(bases[j], CHUNK)], ws[p]).wait()

    def guarded(pred, fn, *a):
        pl.when(pred)(lambda: fn(*a))

    guarded(valid_full[0], fire_gather, 0)
    for j in range(NCH_HI):
        nxt = j + 1
        if nxt < NCH_HI:
            if nxt >= 2:
                guarded(valid_full[nxt - 2], wait_write, nxt - 2)
            guarded(valid_full[nxt], fire_gather, nxt)

        def step(j=j):
            wait_gather(j)
            fire_write(j)

        guarded(valid_full[j], step)

    def tail_step():
        pltpu.async_copy(
            fused_v.at[idx_v.at[pl.ds(NCH_LO * CHUNK, HALF)]],
            rt.at[pl.ds(0, HALF)], ts)
        pltpu.async_copy(
            fused_v.at[idx_v.at[pl.ds(NCH_LO * CHUNK + HALF, TAIL - HALF)]],
            rt.at[pl.ds(HALF, TAIL - HALF)], ts)
        pltpu.make_async_copy(
            fused_v.at[idx_v.at[pl.ds(NCH_LO * CHUNK, HALF)]],
            rt.at[pl.ds(0, HALF)], ts).wait()
        pltpu.make_async_copy(
            fused_v.at[idx_v.at[pl.ds(NCH_LO * CHUNK + HALF, TAIL - HALF)]],
            rt.at[pl.ds(HALF, TAIL - HALF)], ts).wait()
        pltpu.sync_copy(rt, out_hbm.at[pl.ds(TAIL_BASE, TAIL)])

    guarded(wid == NW - 1, tail_step)
    for j in range(NCH_HI - 2, NCH_HI):
        guarded(valid_full[j], wait_write, j)


def _pad_body(x_ref, o_ref):
    t = jnp.transpose(x_ref[...], (1, 0))
    o_ref[...] = jnp.concatenate(
        [t, jnp.zeros((DZ, BT), jnp.float32)], axis=0)


def _transpose_pad(out0e):
    nblk = -(-N // BT)
    return pl.pallas_call(
        _pad_body,
        grid=(nblk,),
        in_specs=[pl.BlockSpec((BT, D_IN), lambda i: (i, 0))],
        out_specs=pl.BlockSpec((D_OUT, BT), lambda i: (0, i)),
        out_shape=jax.ShapeDtypeStruct((D_OUT, N), jnp.float32),
    )(out0e)


def kernel(z, table, W):
    z32 = z.astype(jnp.int32)
    z_pad = jnp.pad(z32, (0, ZPAD - N))
    table_p = jnp.zeros((D_IN, D_IN), jnp.float32).at[:NUM_EMBEDS].set(table)
    fused = _fused_table(table_p, W)
    out0e = _sc_gather(z_pad, fused)
    return _transpose_pad(out0e).T

# --- scband reference (transcript-rebuilt; emitter-appended) ---
"""Pipeline reference for scband-atom-embedding-13116830122170 (READ-ONLY COPY).

The authoritative reference and input builder live on the scoring server;
editing this copy changes nothing except your own understanding.
"""

import jax, jax.numpy as jnp
import numpy as np

N_ATOMS = 100000
NUM_EMBEDS = 118
EMBED_DIM = 128
L1_DIM = 64
L2_DIM = 32
# e3nn o3.Linear from '128x0e' to '128x0e + 64x1o + 32x2o':
# only the 0e->0e path is allowed by equivariance; 1o and 2o outputs are zero
# (no bias by default). The 0e->0e path is a dense matmul with weights drawn
# from N(0,1) and normalized by 1/sqrt(fan_in) at apply time ('element' norm,
# single path so path_weight = 1).
ZERO_DIM = 3 * L1_DIM + 5 * L2_DIM  # 192 + 160 = 352


def setup_inputs(seed: int = 0) -> dict:
    key = jax.random.key(seed)
    k1, k2, k3 = jax.random.split(key, 3)
    z = jax.random.randint(k1, (N_ATOMS,), 0, NUM_EMBEDS, dtype=jnp.int64 if jax.config.jax_enable_x64 else jnp.int32)
    table = jax.random.normal(k2, (NUM_EMBEDS, EMBED_DIM), dtype=jnp.float32)
    W = jax.random.normal(k3, (EMBED_DIM, EMBED_DIM), dtype=jnp.float32)
    return {"z": z, "table": table, "W": W}


def reference(z, table, W):
    # embedding lookup
    embeds = jnp.take(table, z, axis=0)  # [N, EMBED_DIM]
    # o3.Linear 0e->0e path: x @ W / sqrt(fan_in)
    out_0e = (embeds @ W) / jnp.sqrt(jnp.float32(EMBED_DIM))  # [N, EMBED_DIM]
    # 1o (dim 3 each) and 2o (dim 5 each) outputs have no allowed path from 0e input -> zeros
    out_rest = jnp.zeros((embeds.shape[0], ZERO_DIM), dtype=embeds.dtype)
    return jnp.concatenate([out_0e, out_rest], axis=-1)  # [N, 480]

if __name__ == "__main__":
    import jax
    _d = setup_inputs()
    print(jax.jit(kernel)(*tuple(_d.values())))

</pallas_src>

<mosaic_0001>
#map = affine_map<(d0, d1) -> (0)>
#map1 = affine_map<(d0, d1) -> (0, 0)>
module attributes {stable_mosaic.version = 14 : i64} {
  func.func @_sc_gather(%arg0: i32, %arg1: i32, %arg2: memref<100096xi32, #tpu.memory_space<hbm>>, %arg3: memref<128x128xf32, #tpu.memory_space<hbm>>, %arg4: memref<100000x128xf32, #tpu.memory_space<hbm>>, %arg5: memref<3328xi32, #tpu.memory_space<vmem>>, %arg6: memref<128x128xf32, #tpu.memory_space<vmem_shared>>, %arg7: memref<256x128xf32, #tpu.memory_space<vmem>>, %arg8: memref<256x128xf32, #tpu.memory_space<vmem>>, %arg9: memref<160x128xf32, #tpu.memory_space<vmem>>, %arg10: memref<!tpu.dma_semaphore, #tpu.memory_space<semaphore_mem>>, %arg11: memref<!tpu.dma_semaphore, #tpu.memory_space<semaphore_mem>>, %arg12: memref<!tpu.dma_semaphore, #tpu.memory_space<semaphore_mem>>, %arg13: memref<!tpu.dma_semaphore, #tpu.memory_space<semaphore_mem>>, %arg14: memref<!tpu.dma_semaphore, #tpu.memory_space<semaphore_mem>>) attributes {dimension_semantics = [#tpu.dimension_semantics<core_parallel>, #tpu.dimension_semantics<subcore_parallel>], iteration_bounds = array<i64: 2, 16>, scalar_prefetch = 0 : i64, scratch_operands = 10 : i64, tpu.core_type = #tpu.core_type<sc_vector_subcore>, window_params = [{transform_indices = #map}, {transform_indices = #map1}, {transform_indices = #map1}]} {
    %mul3A = arith.constant 2 : i32
    %mul3A_0 = arith.muli %arg1, %mul3A : i32
    %add3A = arith.addi %mul3A_0, %arg0 : i32
    %lt3A = arith.constant 6 : i32
    %lt3A_1 = arith.cmpi slt, %add3A, %lt3A : i32
    %mul3A_2 = arith.constant 3328 : i32
    %mul3A_3 = arith.muli %add3A, %mul3A_2 : i32
    %sub3A = arith.constant 6 : i32
    %sub3A_4 = arith.subi %add3A, %sub3A : i32
    %mul3A_5 = arith.constant 3072 : i32
    %mul3A_6 = arith.muli %sub3A_4, %mul3A_5 : i32
    %add3A_7 = arith.constant 19968 : i32
    %add3A_8 = arith.addi %add3A_7, %mul3A_6 : i32
    %select_n3A = arith.select %lt3A_1, %mul3A_3, %add3A_8 : i32
    "tpu.region"() ({
      %run_scoped3A = tpu.sem_alloc : memref<!tpu.dma_semaphore, #tpu.memory_space<semaphore_mem>>
      %dma_start3A = tpu.memref_slice %arg2[%select_n3A] : memref<100096xi32, #tpu.memory_space<hbm>> -> memref<3328xi32, #tpu.memory_space<hbm>>
      %dma_start3A_205 = tpu.memref_slice %arg2[%select_n3A] : memref<100096xi32, #tpu.memory_space<hbm>> -> memref<3328xi32, #tpu.memory_space<hbm>>
      tpu.enqueue_dma source(%dma_start3A_205 : memref<3328xi32, #tpu.memory_space<hbm>>) target(%arg5 : memref<3328xi32, #tpu.memory_space<vmem>>) target_semaphore(%run_scoped3A : memref<!tpu.dma_semaphore, #tpu.memory_space<semaphore_mem>>)
      %dma_wait3A = tpu.memref_slice %arg2[%select_n3A] : memref<100096xi32, #tpu.memory_space<hbm>> -> memref<3328xi32, #tpu.memory_space<hbm>>
      %dma_wait3A_206 = tpu.memref_slice %arg2[%select_n3A] : memref<100096xi32, #tpu.memory_space<hbm>> -> memref<3328xi32, #tpu.memory_space<hbm>>
      tpu.wait_dma2 semaphore(%run_scoped3A : memref<!tpu.dma_semaphore, #tpu.memory_space<semaphore_mem>>) src(%dma_wait3A_206 : memref<3328xi32, #tpu.memory_space<hbm>>) dst(%arg5 : memref<3328xi32, #tpu.memory_space<vmem>>)
      tpu.yield
    }) : () -> ()
    "tpu.region"() ({
      %run_scoped3A = tpu.sem_alloc : memref<!tpu.dma_semaphore, #tpu.memory_space<semaphore_mem>>
      tpu.enqueue_dma source(%arg3 : memref<128x128xf32, #tpu.memory_space<hbm>>) target(%arg6 : memref<128x128xf32, #tpu.memory_space<vmem_shared>>) target_semaphore(%run_scoped3A : memref<!tpu.dma_semaphore, #tpu.memory_space<semaphore_mem>>)
      tpu.wait_dma2 semaphore(%run_scoped3A : memref<!tpu.dma_semaphore, #tpu.memory_space<semaphore_mem>>) src(%arg3 : memref<128x128xf32, #tpu.memory_space<hbm>>) dst(%arg6 : memref<128x128xf32, #tpu.memory_space<vmem_shared>>)
      tpu.yield
    }) : () -> ()
    %add3A_9 = arith.constant 0 : i32
    %add3A_10 = arith.addi %select_n3A, %add3A_9 : i32
    %add3A_11 = arith.constant 256 : i32
    %add3A_12 = arith.addi %select_n3A, %add3A_11 : i32
    %add3A_13 = arith.constant 512 : i32
    %add3A_14 = arith.addi %select_n3A, %add3A_13 : i32
    %add3A_15 = arith.constant 768 : i32
    %add3A_16 = arith.addi %select_n3A, %add3A_15 : i32
    %add3A_17 = arith.constant 1024 : i32
    %add3A_18 = arith.addi %select_n3A, %add3A_17 : i32
    %add3A_19 = arith.constant 1280 : i32
    %add3A_20 = arith.addi %select_n3A, %add3A_19 : i32
    %add3A_21 = arith.constant 1536 : i32
    %add3A_22 = arith.addi %select_n3A, %add3A_21 : i32
    %add3A_23 = arith.constant 1792 : i32
    %add3A_24 = arith.addi %select_n3A, %add3A_23 : i32
    %add3A_25 = arith.constant 2048 : i32
    %add3A_26 = arith.addi %select_n3A, %add3A_25 : i32
    %add3A_27 = arith.constant 2304 : i32
    %add3A_28 = arith.addi %select_n3A, %add3A_27 : i32
    %add3A_29 = arith.constant 2560 : i32
    %add3A_30 = arith.addi %select_n3A, %add3A_29 : i32
    %add3A_31 = arith.constant 2816 : i32
    %add3A_32 = arith.addi %select_n3A, %add3A_31 : i32
    %add3A_33 = arith.constant 3072 : i32
    %add3A_34 = arith.addi %select_n3A, %add3A_33 : i32
    %add3A_35 = arith.constant 256 : i32
    %add3A_36 = arith.addi %add3A_10, %add3A_35 : i32
    %le3A = arith.constant 100000 : i32
    %le3A_37 = arith.cmpi sle, %add3A_36, %le3A : i32
    %add3A_38 = arith.constant 256 : i32
    %add3A_39 = arith.addi %add3A_12, %add3A_38 : i32
    %le3A_40 = arith.constant 100000 : i32
    %le3A_41 = arith.cmpi sle, %add3A_39, %le3A_40 : i32
    %add3A_42 = arith.constant 256 : i32
    %add3A_43 = arith.addi %add3A_14, %add3A_42 : i32
    %le3A_44 = arith.constant 100000 : i32
    %le3A_45 = arith.cmpi sle, %add3A_43, %le3A_44 : i32
    %add3A_46 = arith.constant 256 : i32
    %add3A_47 = arith.addi %add3A_16, %add3A_46 : i32
    %le3A_48 = arith.constant 100000 : i32
    %le3A_49 = arith.cmpi sle, %add3A_47, %le3A_48 : i32
    %add3A_50 = arith.constant 256 : i32
    %add3A_51 = arith.addi %add3A_18, %add3A_50 : i32
    %le3A_52 = arith.constant 100000 : i32
    %le3A_53 = arith.cmpi sle, %add3A_51, %le3A_52 : i32
    %add3A_54 = arith.constant 256 : i32
    %add3A_55 = arith.addi %add3A_20, %add3A_54 : i32
    %le3A_56 = arith.constant 100000 : i32
    %le3A_57 = arith.cmpi sle, %add3A_55, %le3A_56 : i32
    %add3A_58 = arith.constant 256 : i32
    %add3A_59 = arith.addi %add3A_22, %add3A_58 : i32
    %le3A_60 = arith.constant 100000 : i32
    %le3A_61 = arith.cmpi sle, %add3A_59, %le3A_60 : i32
    %add3A_62 = arith.constant 256 : i32
    %add3A_63 = arith.addi %add3A_24, %add3A_62 : i32
    %le3A_64 = arith.constant 100000 : i32
    %le3A_65 = arith.cmpi sle, %add3A_63, %le3A_64 : i32
    %add3A_66 = arith.constant 256 : i32
    %add3A_67 = arith.addi %add3A_26, %add3A_66 : i32
    %le3A_68 = arith.constant 100000 : i32
    %le3A_69 = arith.cmpi sle, %add3A_67, %le3A_68 : i32
    %add3A_70 = arith.constant 256 : i32
    %add3A_71 = arith.addi %add3A_28, %add3A_70 : i32
    %le3A_72 = arith.constant 100000 : i32
    %le3A_73 = arith.cmpi sle, %add3A_71, %le3A_72 : i32
    %add3A_74 = arith.constant 256 : i32
    %add3A_75 = arith.addi %add3A_30, %add3A_74 : i32
    %le3A_76 = arith.constant 100000 : i32
    %le3A_77 = arith.cmpi sle, %add3A_75, %le3A_76 : i32
    %add3A_78 = arith.constant 256 : i32
    %add3A_79 = arith.addi %add3A_32, %add3A_78 : i32
    %le3A_80 = arith.constant 100000 : i32
    %le3A_81 = arith.cmpi sle, %add3A_79, %le3A_80 : i32
    %add3A_82 = arith.constant 256 : i32
    %add3A_83 = arith.addi %add3A_34, %add3A_82 : i32
    %le3A_84 = arith.constant 100000 : i32
    %le3A_85 = arith.cmpi sle, %add3A_83, %le3A_84 : i32
    %and3A = arith.andi %lt3A_1, %le3A_85 : i1
    %convert_element_type3A = arith.extui %le3A_37 : i1 to i32
    %cond3A = arith.constant 0 : i32
    %cond3A_86 = arith.cmpi ne, %convert_element_type3A, %cond3A : i32
    scf.if %cond3A_86 {
      %dma_start3A = arith.constant 0 : i32
      %dma_start3A_205 = arith.constant 0 : i32
      %dma_start3A_206 = tpu.memref_slice %arg7[%dma_start3A, %dma_start3A_205] : memref<256x128xf32, #tpu.memory_space<vmem>> -> memref<128x128xf32, #tpu.memory_space<vmem>>
      %dma_start3A_207 = arith.constant 0 : i32
      %dma_start3A_208 = tpu.memref_slice %arg5[%dma_start3A_207] : memref<3328xi32, #tpu.memory_space<vmem>> -> memref<128xi32, #tpu.memory_space<vmem>>
      %dma_start3A_209 = arith.constant 0 : i32
      %dma_start3A_210 = arith.constant 0 : i32
      %dma_start3A_211 = tpu.memref_slice %arg6[%dma_start3A_209, %dma_start3A_210] : memref<128x128xf32, #tpu.memory_space<vmem_shared>> -> memref<128x128xf32, #tpu.memory_space<vmem_shared>>
      tpu.enqueue_indirect_dma source(%dma_start3A_211 : memref<128x128xf32, #tpu.memory_space<vmem_shared>>) target(%dma_start3A_206 : memref<128x128xf32, #tpu.memory_space<vmem>>) offsets(%dma_start3A_208 : memref<128xi32, #tpu.memory_space<vmem>>) semaphore(%arg10 : memref<!tpu.dma_semaphore, #tpu.memory_space<semaphore_mem>>)
      %dma_start3A_212 = arith.constant 128 : i32
      %dma_start3A_213 = arith.constant 0 : i32
      %dma_start3A_214 = tpu.memref_slice %arg7[%dma_start3A_212, %dma_start3A_213] : memref<256x128xf32, #tpu.memory_space<vmem>> -> memref<128x128xf32, #tpu.memory_space<vmem>>
      %dma_start3A_215 = arith.constant 128 : i32
      %dma_start3A_216 = tpu.memref_slice %arg5[%dma_start3A_215] : memref<3328xi32, #tpu.memory_space<vmem>> -> memref<128xi32, #tpu.memory_space<vmem>>
      %dma_start3A_217 = arith.constant 0 : i32
      %dma_start3A_218 = arith.constant 0 : i32
      %dma_start3A_219 = tpu.memref_slice %arg6[%dma_start3A_217, %dma_start3A_218] : memref<128x128xf32, #tpu.memory_space<vmem_shared>> -> memref<128x128xf32, #tpu.memory_space<vmem_shared>>
      tpu.enqueue_indirect_dma source(%dma_start3A_219 : memref<128x128xf32, #tpu.memory_space<vmem_shared>>) target(%dma_start3A_214 : memref<128x128xf32, #tpu.memory_space<vmem>>) offsets(%dma_start3A_216 : memref<128xi32, #tpu.memory_space<vmem>>) semaphore(%arg10 : memref<!tpu.dma_semaphore, #tpu.memory_space<semaphore_mem>>)
    } else {
    }
    %convert_element_type3A_87 = arith.extui %le3A_41 : i1 to i32
    %cond3A_88 = arith.constant 0 : i32
    %cond3A_89 = arith.cmpi ne, %convert_element_type3A_87, %cond3A_88 : i32
    scf.if %cond3A_89 {
      %dma_start3A = arith.constant 0 : i32
      %dma_start3A_205 = arith.constant 0 : i32
      %dma_start3A_206 = tpu.memref_slice %arg8[%dma_start3A, %dma_start3A_205] : memref<256x128xf32, #tpu.memory_space<vmem>> -> memref<128x128xf32, #tpu.memory_space<vmem>>
      %dma_start3A_207 = arith.constant 256 : i32
      %dma_start3A_208 = tpu.memref_slice %arg5[%dma_start3A_207] : memref<3328xi32, #tpu.memory_space<vmem>> -> memref<128xi32, #tpu.memory_space<vmem>>
      %dma_start3A_209 = arith.constant 0 : i32
      %dma_start3A_210 = arith.constant 0 : i32
      %dma_start3A_211 = tpu.memref_slice %arg6[%dma_start3A_209, %dma_start3A_210] : memref<128x128xf32, #tpu.memory_space<vmem_shared>> -> memref<128x128xf32, #tpu.memory_space<vmem_shared>>
      tpu.enqueue_indirect_dma source(%dma_start3A_211 : memref<128x128xf32, #tpu.memory_space<vmem_shared>>) target(%dma_start3A_206 : memref<128x128xf32, #tpu.memory_space<vmem>>) offsets(%dma_start3A_208 : memref<128xi32, #tpu.memory_space<vmem>>) semaphore(%arg11 : memref<!tpu.dma_semaphore, #tpu.memory_space<semaphore_mem>>)
      %dma_start3A_212 = arith.constant 128 : i32
      %dma_start3A_213 = arith.constant 0 : i32
      %dma_start3A_214 = tpu.memref_slice %arg8[%dma_start3A_212, %dma_start3A_213] : memref<256x128xf32, #tpu.memory_space<vmem>> -> memref<128x128xf32, #tpu.memory_space<vmem>>
      %dma_start3A_215 = arith.constant 384 : i32
      %dma_start3A_216 = tpu.memref_slice %arg5[%dma_start3A_215] : memref<3328xi32, #tpu.memory_space<vmem>> -> memref<128xi32, #tpu.memory_space<vmem>>
      %dma_start3A_217 = arith.constant 0 : i32
      %dma_start3A_218 = arith.constant 0 : i32
      %dma_start3A_219 = tpu.memref_slice %arg6[%dma_start3A_217, %dma_start3A_218] : memref<128x128xf32, #tpu.memory_space<vmem_shared>> -> memref<128x128xf32, #tpu.memory_space<vmem_shared>>
      tpu.enqueue_indirect_dma source(%dma_start3A_219 : memref<128x128xf32, #tpu.memory_space<vmem_shared>>) target(%dma_start3A_214 : memref<128x128xf32, #tpu.memory_space<vmem>>) offsets(%dma_start3A_216 : memref<128xi32, #tpu.memory_space<vmem>>) semaphore(%arg11 : memref<!tpu.dma_semaphore, #tpu.memory_space<semaphore_mem>>)
    } else {
    }
    %convert_element_type3A_90 = arith.extui %le3A_37 : i1 to i32
    %cond3A_91 = arith.constant 0 : i32
    %cond3A_92 = arith.cmpi ne, %convert_element_type3A_90, %cond3A_91 : i32
    scf.if %cond3A_92 {
      %dma_wait3A = arith.constant 0 : i32
      %dma_wait3A_205 = arith.constant 0 : i32
      %dma_wait3A_206 = tpu.memref_slice %arg7[%dma_wait3A, %dma_wait3A_205] : memref<256x128xf32, #tpu.memory_space<vmem>> -> memref<128x128xf32, #tpu.memory_space<vmem>>
      %dma_wait3A_207 = arith.constant 0 : i32
      %dma_wait3A_208 = tpu.memref_slice %arg5[%dma_wait3A_207] : memref<3328xi32, #tpu.memory_space<vmem>> -> memref<128xi32, #tpu.memory_space<vmem>>
      %dma_wait3A_209 = arith.constant 0 : i32
      %dma_wait3A_210 = arith.constant 0 : i32
      %dma_wait3A_211 = tpu.memref_slice %arg6[%dma_wait3A_209, %dma_wait3A_210] : memref<128x128xf32, #tpu.memory_space<vmem_shared>> -> memref<128x128xf32, #tpu.memory_space<vmem_shared>>
      tpu.wait_indirect_dma semaphore(%arg10 : memref<!tpu.dma_semaphore, #tpu.memory_space<semaphore_mem>>) src(%dma_wait3A_211 : memref<128x128xf32, #tpu.memory_space<vmem_shared>>) dst(%dma_wait3A_206 : memref<128x128xf32, #tpu.memory_space<vmem>>)
      %dma_wait3A_212 = arith.constant 128 : i32
      %dma_wait3A_213 = arith.constant 0 : i32
      %dma_wait3A_214 = tpu.memref_slice %arg7[%dma_wait3A_212, %dma_wait3A_213] : memref<256x128xf32, #tpu.memory_space<vmem>> -> memref<128x128xf32, #tpu.memory_space<vmem>>
      %dma_wait3A_215 = arith.constant 128 : i32
      %dma_wait3A_216 = tpu.memref_slice %arg5[%dma_wait3A_215] : memref<3328xi32, #tpu.memory_space<vmem>> -> memref<128xi32, #tpu.memory_space<vmem>>
      %dma_wait3A_217 = arith.constant 0 : i32
      %dma_wait3A_218 = arith.constant 0 : i32
      %dma_wait3A_219 = tpu.memref_slice %arg6[%dma_wait3A_217, %dma_wait3A_218] : memref<128x128xf32, #tpu.memory_space<vmem_shared>> -> memref<128x128xf32, #tpu.memory_space<vmem_shared>>
      tpu.wait_indirect_dma semaphore(%arg10 : memref<!tpu.dma_semaphore, #tpu.memory_space<semaphore_mem>>) src(%dma_wait3A_219 : memref<128x128xf32, #tpu.memory_space<vmem_shared>>) dst(%dma_wait3A_214 : memref<128x128xf32, #tpu.memory_space<vmem>>)
      %dma_start3A = arith.constant 0 : i32
      %dma_start3A_220 = tpu.memref_slice %arg4[%add3A_10, %dma_start3A] : memref<100000x128xf32, #tpu.memory_space<hbm>> -> memref<256x128xf32, #tpu.memory_space<hbm>>
      %dma_start3A_221 = arith.constant 0 : i32
      %dma_start3A_222 = tpu.memref_slice %arg4[%add3A_10, %dma_start3A_221] : memref<100000x128xf32, #tpu.memory_space<hbm>> -> memref<256x128xf32, #tpu.memory_space<hbm>>
      tpu.enqueue_dma source(%arg7 : memref<256x128xf32, #tpu.memory_space<vmem>>) target(%dma_start3A_222 : memref<256x128xf32, #tpu.memory_space<hbm>>) target_semaphore(%arg12 : memref<!tpu.dma_semaphore, #tpu.memory_space<semaphore_mem>>)
    } else {
    }
    %convert_element_type3A_93 = arith.extui %le3A_37 : i1 to i32
    %cond3A_94 = arith.constant 0 : i32
    %cond3A_95 = arith.cmpi ne, %convert_element_type3A_93, %cond3A_94 : i32
    scf.if %cond3A_95 {
      %dma_wait3A = arith.constant 0 : i32
      %dma_wait3A_205 = tpu.memref_slice %arg4[%add3A_10, %dma_wait3A] : memref<100000x128xf32, #tpu.memory_space<hbm>> -> memref<256x128xf32, #tpu.memory_space<hbm>>
      %dma_wait3A_206 = arith.constant 0 : i32
      %dma_wait3A_207 = tpu.memref_slice %arg4[%add3A_10, %dma_wait3A_206] : memref<100000x128xf32, #tpu.memory_space<hbm>> -> memref<256x128xf32, #tpu.memory_space<hbm>>
      tpu.wait_dma2 semaphore(%arg12 : memref<!tpu.dma_semaphore, #tpu.memory_space<semaphore_mem>>) src(%arg7 : memref<256x128xf32, #tpu.memory_space<vmem>>) dst(%dma_wait3A_207 : memref<256x128xf32, #tpu.memory_space<hbm>>)
    } else {
    }
    %convert_element_type3A_96 = arith.extui %le3A_45 : i1 to i32
    %cond3A_97 = arith.constant 0 : i32
    %cond3A_98 = arith.cmpi ne, %convert_element_type3A_96, %cond3A_97 : i32
    scf.if %cond3A_98 {
      %dma_start3A = arith.constant 0 : i32
      %dma_start3A_205 = arith.constant 0 : i32
      %dma_start3A_206 = tpu.memref_slice %arg7[%dma_start3A, %dma_start3A_205] : memref<256x128xf32, #tpu.memory_space<vmem>> -> memref<128x128xf32, #tpu.memory_space<vmem>>
      %dma_start3A_207 = arith.constant 512 : i32
      %dma_start3A_208 = tpu.memref_slice %arg5[%dma_start3A_207] : memref<3328xi32, #tpu.memory_space<vmem>> -> memref<128xi32, #tpu.memory_space<vmem>>
      %dma_start3A_209 = arith.constant 0 : i32
      %dma_start3A_210 = arith.constant 0 : i32
      %dma_start3A_211 = tpu.memref_slice %arg6[%dma_start3A_209, %dma_start3A_210] : memref<128x128xf32, #tpu.memory_space<vmem_shared>> -> memref<128x128xf32, #tpu.memory_space<vmem_shared>>
      tpu.enqueue_indirect_dma source(%dma_start3A_211 : memref<128x128xf32, #tpu.memory_space<vmem_shared>>) target(%dma_start3A_206 : memref<128x128xf32, #tpu.memory_space<vmem>>) offsets(%dma_start3A_208 : memref<128xi32, #tpu.memory_space<vmem>>) semaphore(%arg10 : memref<!tpu.dma_semaphore, #tpu.memory_space<semaphore_mem>>)
      %dma_start3A_212 = arith.constant 128 : i32
      %dma_start3A_213 = arith.constant 0 : i32
      %dma_start3A_214 = tpu.memref_slice %arg7[%dma_start3A_212, %dma_start3A_213] : memref<256x128xf32, #tpu.memory_space<vmem>> -> memref<128x128xf32, #tpu.memory_space<vmem>>
      %dma_start3A_215 = arith.constant 640 : i32
      %dma_start3A_216 = tpu.memref_slice %arg5[%dma_start3A_215] : memref<3328xi32, #tpu.memory_space<vmem>> -> memref<128xi32, #tpu.memory_space<vmem>>
      %dma_start3A_217 = arith.constant 0 : i32
      %dma_start3A_218 = arith.constant 0 : i32
      %dma_start3A_219 = tpu.memref_slice %arg6[%dma_start3A_217, %dma_start3A_218] : memref<128x128xf32, #tpu.memory_space<vmem_shared>> -> memref<128x128xf32, #tpu.memory_space<vmem_shared>>
      tpu.enqueue_indirect_dma source(%dma_start3A_219 : memref<128x128xf32, #tpu.memory_space<vmem_shared>>) target(%dma_start3A_214 : memref<128x128xf32, #tpu.memory_space<vmem>>) offsets(%dma_start3A_216 : memref<128xi32, #tpu.memory_space<vmem>>) semaphore(%arg10 : memref<!tpu.dma_semaphore, #tpu.memory_space<semaphore_mem>>)
    } else {
    }
    %convert_element_type3A_99 = arith.extui %le3A_41 : i1 to i32
    %cond3A_100 = arith.constant 0 : i32
    %cond3A_101 = arith.cmpi ne, %convert_element_type3A_99, %cond3A_100 : i32
    scf.if %cond3A_101 {
      %dma_wait3A = arith.constant 0 : i32
      %dma_wait3A_205 = arith.constant 0 : i32
      %dma_wait3A_206 = tpu.memref_slice %arg8[%dma_wait3A, %dma_wait3A_205] : memref<256x128xf32, #tpu.memory_space<vmem>> -> memref<128x128xf32, #tpu.memory_space<vmem>>
      %dma_wait3A_207 = arith.constant 256 : i32
      %dma_wait3A_208 = tpu.memref_slice %arg5[%dma_wait3A_207] : memref<3328xi32, #tpu.memory_space<vmem>> -> memref<128xi32, #tpu.memory_space<vmem>>
      %dma_wait3A_209 = arith.constant 0 : i32
      %dma_wait3A_210 = arith.constant 0 : i32
      %dma_wait3A_211 = tpu.memref_slice %arg6[%dma_wait3A_209, %dma_wait3A_210] : memref<128x128xf32, #tpu.memory_space<vmem_shared>> -> memref<128x128xf32, #tpu.memory_space<vmem_shared>>
      tpu.wait_indirect_dma semaphore(%arg11 : memref<!tpu.dma_semaphore, #tpu.memory_space<semaphore_mem>>) src(%dma_wait3A_211 : memref<128x128xf32, #tpu.memory_space<vmem_shared>>) dst(%dma_wait3A_206 : memref<128x128xf32, #tpu.memory_space<vmem>>)
      %dma_wait3A_212 = arith.constant 128 : i32
      %dma_wait3A_213 = arith.constant 0 : i32
      %dma_wait3A_214 = tpu.memref_slice %arg8[%dma_wait3A_212, %dma_wait3A_213] : memref<256x128xf32, #tpu.memory_space<vmem>> -> memref<128x128xf32, #tpu.memory_space<vmem>>
      %dma_wait3A_215 = arith.constant 384 : i32
      %dma_wait3A_216 = tpu.memref_slice %arg5[%dma_wait3A_215] : memref<3328xi32, #tpu.memory_space<vmem>> -> memref<128xi32, #tpu.memory_space<vmem>>
      %dma_wait3A_217 = arith.constant 0 : i32
      %dma_wait3A_218 = arith.constant 0 : i32
      %dma_wait3A_219 = tpu.memref_slice %arg6[%dma_wait3A_217, %dma_wait3A_218] : memref<128x128xf32, #tpu.memory_space<vmem_shared>> -> memref<128x128xf32, #tpu.memory_space<vmem_shared>>
      tpu.wait_indirect_dma semaphore(%arg11 : memref<!tpu.dma_semaphore, #tpu.memory_space<semaphore_mem>>) src(%dma_wait3A_219 : memref<128x128xf32, #tpu.memory_space<vmem_shared>>) dst(%dma_wait3A_214 : memref<128x128xf32, #tpu.memory_space<vmem>>)
      %dma_start3A = arith.constant 0 : i32
      %dma_start3A_220 = tpu.memref_slice %arg4[%add3A_12, %dma_start3A] : memref<100000x128xf32, #tpu.memory_space<hbm>> -> memref<256x128xf32, #tpu.memory_space<hbm>>
      %dma_start3A_221 = arith.constant 0 : i32
      %dma_start3A_222 = tpu.memref_slice %arg4[%add3A_12, %dma_start3A_221] : memref<100000x128xf32, #tpu.memory_space<hbm>> -> memref<256x128xf32, #tpu.memory_space<hbm>>
      tpu.enqueue_dma source(%arg8 : memref<256x128xf32, #tpu.memory_space<vmem>>) target(%dma_start3A_222 : memref<256x128xf32, #tpu.memory_space<hbm>>) target_semaphore(%arg13 : memref<!tpu.dma_semaphore, #tpu.memory_space<semaphore_mem>>)
    } else {
    }
    %convert_element_type3A_102 = arith.extui %le3A_41 : i1 to i32
    %cond3A_103 = arith.constant 0 : i32
    %cond3A_104 = arith.cmpi ne, %convert_element_type3A_102, %cond3A_103 : i32
    scf.if %cond3A_104 {
      %dma_wait3A = arith.constant 0 : i32
      %dma_wait3A_205 = tpu.memref_slice %arg4[%add3A_12, %dma_wait3A] : memref<100000x128xf32, #tpu.memory_space<hbm>> -> memref<256x128xf32, #tpu.memory_space<hbm>>
      %dma_wait3A_206 = arith.constant 0 : i32
      %dma_wait3A_207 = tpu.memref_slice %arg4[%add3A_12, %dma_wait3A_206] : memref<100000x128xf32, #tpu.memory_space<hbm>> -> memref<256x128xf32, #tpu.memory_space<hbm>>
      tpu.wait_dma2 semaphore(%arg13 : memref<!tpu.dma_semaphore, #tpu.memory_space<semaphore_mem>>) src(%arg8 : memref<256x128xf32, #tpu.memory_space<vmem>>) dst(%dma_wait3A_207 : memref<256x128xf32, #tpu.memory_space<hbm>>)
    } else {
    }
    %convert_element_type3A_105 = arith.extui %le3A_49 : i1 to i32
    %cond3A_106 = arith.constant 0 : i32
    %cond3A_107 = arith.cmpi ne, %convert_element_type3A_105, %cond3A_106 : i32
    scf.if %cond3A_107 {
      %dma_start3A = arith.constant 0 : i32
      %dma_start3A_205 = arith.constant 0 : i32
      %dma_start3A_206 = tpu.memref_slice %arg8[%dma_start3A, %dma_start3A_205] : memref<256x128xf32, #tpu.memory_space<vmem>> -> memref<128x128xf32, #tpu.memory_space<vmem>>
      %dma_start3A_207 = arith.constant 768 : i32
      %dma_start3A_208 = tpu.memref_slice %arg5[%dma_start3A_207] : memref<3328xi32, #tpu.memory_space<vmem>> -> memref<128xi32, #tpu.memory_space<vmem>>
      %dma_start3A_209 = arith.constant 0 : i32
      %dma_start3A_210 = arith.constant 0 : i32
      %dma_start3A_211 = tpu.memref_slice %arg6[%dma_start3A_209, %dma_start3A_210] : memref<128x128xf32, #tpu.memory_space<vmem_shared>> -> memref<128x128xf32, #tpu.memory_space<vmem_shared>>
      tpu.enqueue_indirect_dma source(%dma_start3A_211 : memref<128x128xf32, #tpu.memory_space<vmem_shared>>) target(%dma_start3A_206 : memref<128x128xf32, #tpu.memory_space<vmem>>) offsets(%dma_start3A_208 : memref<128xi32, #tpu.memory_space<vmem>>) semaphore(%arg11 : memref<!tpu.dma_semaphore, #tpu.memory_space<semaphore_mem>>)
      %dma_start3A_212 = arith.constant 128 : i32
      %dma_start3A_213 = arith.constant 0 : i32
      %dma_start3A_214 = tpu.memref_slice %arg8[%dma_start3A_212, %dma_start3A_213] : memref<256x128xf32, #tpu.memory_space<vmem>> -> memref<128x128xf32, #tpu.memory_space<vmem>>
      %dma_start3A_215 = arith.constant 896 : i32
      %dma_start3A_216 = tpu.memref_slice %arg5[%dma_start3A_215] : memref<3328xi32, #tpu.memory_space<vmem>> -> memref<128xi32, #tpu.memory_space<vmem>>
      %dma_start3A_217 = arith.constant 0 : i32
      %dma_start3A_218 = arith.constant 0 : i32
      %dma_start3A_219 = tpu.memref_slice %arg6[%dma_start3A_217, %dma_start3A_218] : memref<128x128xf32, #tpu.memory_space<vmem_shared>> -> memref<128x128xf32, #tpu.memory_space<vmem_shared>>
      tpu.enqueue_indirect_dma source(%dma_start3A_219 : memref<128x128xf32, #tpu.memory_space<vmem_shared>>) target(%dma_start3A_214 : memref<128x128xf32, #tpu.memory_space<vmem>>) offsets(%dma_start3A_216 : memref<128xi32, #tpu.memory_space<vmem>>) semaphore(%arg11 : memref<!tpu.dma_semaphore, #tpu.memory_space<semaphore_mem>>)
    } else {
    }
    %convert_element_type3A_108 = arith.extui %le3A_45 : i1 to i32
    %cond3A_109 = arith.constant 0 : i32
    %cond3A_110 = arith.cmpi ne, %convert_element_type3A_108, %cond3A_109 : i32
    scf.if %cond3A_110 {
      %dma_wait3A = arith.constant 0 : i32
      %dma_wait3A_205 = arith.constant 0 : i32
      %dma_wait3A_206 = tpu.memref_slice %arg7[%dma_wait3A, %dma_wait3A_205] : memref<256x128xf32, #tpu.memory_space<vmem>> -> memref<128x128xf32, #tpu.memory_space<vmem>>
      %dma_wait3A_207 = arith.constant 512 : i32
      %dma_wait3A_208 = tpu.memref_slice %arg5[%dma_wait3A_207] : memref<3328xi32, #tpu.memory_space<vmem>> -> memref<128xi32, #tpu.memory_space<vmem>>
      %dma_wait3A_209 = arith.constant 0 : i32
      %dma_wait3A_210 = arith.constant 0 : i32
      %dma_wait3A_211 = tpu.memref_slice %arg6[%dma_wait3A_209, %dma_wait3A_210] : memref<128x128xf32, #tpu.memory_space<vmem_shared>> -> memref<128x128xf32, #tpu.memory_space<vmem_shared>>
      tpu.wait_indirect_dma semaphore(%arg10 : memref<!tpu.dma_semaphore, #tpu.memory_space<semaphore_mem>>) src(%dma_wait3A_211 : memref<128x128xf32, #tpu.memory_space<vmem_shared>>) dst(%dma_wait3A_206 : memref<128x128xf32, #tpu.memory_space<vmem>>)
      %dma_wait3A_212 = arith.constant 128 : i32
      %dma_wait3A_213 = arith.constant 0 : i32
      %dma_wait3A_214 = tpu.memref_slice %arg7[%dma_wait3A_212, %dma_wait3A_213] : memref<256x128xf32, #tpu.memory_space<vmem>> -> memref<128x128xf32, #tpu.memory_space<vmem>>
      %dma_wait3A_215 = arith.constant 640 : i32
      %dma_wait3A_216 = tpu.memref_slice %arg5[%dma_wait3A_215] : memref<3328xi32, #tpu.memory_space<vmem>> -> memref<128xi32, #tpu.memory_space<vmem>>
      %dma_wait3A_217 = arith.constant 0 : i32
      %dma_wait3A_218 = arith.constant 0 : i32
      %dma_wait3A_219 = tpu.memref_slice %arg6[%dma_wait3A_217, %dma_wait3A_218] : memref<128x128xf32, #tpu.memory_space<vmem_shared>> -> memref<128x128xf32, #tpu.memory_space<vmem_shared>>
      tpu.wait_indirect_dma semaphore(%arg10 : memref<!tpu.dma_semaphore, #tpu.memory_space<semaphore_mem>>) src(%dma_wait3A_219 : memref<128x128xf32, #tpu.memory_space<vmem_shared>>) dst(%dma_wait3A_214 : memref<128x128xf32, #tpu.memory_space<vmem>>)
      %dma_start3A = arith.constant 0 : i32
      %dma_start3A_220 = tpu.memref_slice %arg4[%add3A_14, %dma_start3A] : memref<100000x128xf32, #tpu.memory_space<hbm>> -> memref<256x128xf32, #tpu.memory_space<hbm>>
      %dma_start3A_221 = arith.constant 0 : i32
      %dma_start3A_222 = tpu.memref_slice %arg4[%add3A_14, %dma_start3A_221] : memref<100000x128xf32, #tpu.memory_space<hbm>> -> memref<256x128xf32, #tpu.memory_space<hbm>>
      tpu.enqueue_dma source(%arg7 : memref<256x128xf32, #tpu.memory_space<vmem>>) target(%dma_start3A_222 : memref<256x128xf32, #tpu.memory_space<hbm>>) target_semaphore(%arg12 : memref<!tpu.dma_semaphore, #tpu.memory_space<semaphore_mem>>)
    } else {
    }
    %convert_element_type3A_111 = arith.extui %le3A_45 : i1 to i32
    %cond3A_112 = arith.constant 0 : i32
    %cond3A_113 = arith.cmpi ne, %convert_element_type3A_111, %cond3A_112 : i32
    scf.if %cond3A_113 {
      %dma_wait3A = arith.constant 0 : i32
      %dma_wait3A_205 = tpu.memref_slice %arg4[%add3A_14, %dma_wait3A] : memref<100000x128xf32, #tpu.memory_space<hbm>> -> memref<256x128xf32, #tpu.memory_space<hbm>>
      %dma_wait3A_206 = arith.constant 0 : i32
      %dma_wait3A_207 = tpu.memref_slice %arg4[%add3A_14, %dma_wait3A_206] : memref<100000x128xf32, #tpu.memory_space<hbm>> -> memref<256x128xf32, #tpu.memory_space<hbm>>
      tpu.wait_dma2 semaphore(%arg12 : memref<!tpu.dma_semaphore, #tpu.memory_space<semaphore_mem>>) src(%arg7 : memref<256x128xf32, #tpu.memory_space<vmem>>) dst(%dma_wait3A_207 : memref<256x128xf32, #tpu.memory_space<hbm>>)
    } else {
    }
    %convert_element_type3A_114 = arith.extui %le3A_53 : i1 to i32
    %cond3A_115 = arith.constant 0 : i32
    %cond3A_116 = arith.cmpi ne, %convert_element_type3A_114, %cond3A_115 : i32
    scf.if %cond3A_116 {
      %dma_start3A = arith.constant 0 : i32
      %dma_start3A_205 = arith.constant 0 : i32
      %dma_start3A_206 = tpu.memref_slice %arg7[%dma_start3A, %dma_start3A_205] : memref<256x128xf32, #tpu.memory_space<vmem>> -> memref<128x128xf32, #tpu.memory_space<vmem>>
      %dma_start3A_207 = arith.constant 1024 : i32
      %dma_start3A_208 = tpu.memref_slice %arg5[%dma_start3A_207] : memref<3328xi32, #tpu.memory_space<vmem>> -> memref<128xi32, #tpu.memory_space<vmem>>
      %dma_start3A_209 = arith.constant 0 : i32
      %dma_start3A_210 = arith.constant 0 : i32
      %dma_start3A_211 = tpu.memref_slice %arg6[%dma_start3A_209, %dma_start3A_210] : memref<128x128xf32, #tpu.memory_space<vmem_shared>> -> memref<128x128xf32, #tpu.memory_space<vmem_shared>>
      tpu.enqueue_indirect_dma source(%dma_start3A_211 : memref<128x128xf32, #tpu.memory_space<vmem_shared>>) target(%dma_start3A_206 : memref<128x128xf32, #tpu.memory_space<vmem>>) offsets(%dma_start3A_208 : memref<128xi32, #tpu.memory_space<vmem>>) semaphore(%arg10 : memref<!tpu.dma_semaphore, #tpu.memory_space<semaphore_mem>>)
      %dma_start3A_212 = arith.constant 128 : i32
      %dma_start3A_213 = arith.constant 0 : i32
      %dma_start3A_214 = tpu.memref_slice %arg7[%dma_start3A_212, %dma_start3A_213] : memref<256x128xf32, #tpu.memory_space<vmem>> -> memref<128x128xf32, #tpu.memory_space<vmem>>
      %dma_start3A_215 = arith.constant 1152 : i32
      %dma_start3A_216 = tpu.memref_slice %arg5[%dma_start3A_215] : memref<3328xi32, #tpu.memory_space<vmem>> -> memref<128xi32, #tpu.memory_space<vmem>>
      %dma_start3A_217 = arith.constant 0 : i32
      %dma_start3A_218 = arith.constant 0 : i32
      %dma_start3A_219 = tpu.memref_slice %arg6[%dma_start3A_217, %dma_start3A_218] : memref<128x128xf32, #tpu.memory_space<vmem_shared>> -> memref<128x128xf32, #tpu.memory_space<vmem_shared>>
      tpu.enqueue_indirect_dma source(%dma_start3A_219 : memref<128x128xf32, #tpu.memory_space<vmem_shared>>) target(%dma_start3A_214 : memref<128x128xf32, #tpu.memory_space<vmem>>) offsets(%dma_start3A_216 : memref<128xi32, #tpu.memory_space<vmem>>) semaphore(%arg10 : memref<!tpu.dma_semaphore, #tpu.memory_space<semaphore_mem>>)
    } else {
    }
    %convert_element_type3A_117 = arith.extui %le3A_49 : i1 to i32
    %cond3A_118 = arith.constant 0 : i32
    %cond3A_119 = arith.cmpi ne, %convert_element_type3A_117, %cond3A_118 : i32
    scf.if %cond3A_119 {
      %dma_wait3A = arith.constant 0 : i32
      %dma_wait3A_205 = arith.constant 0 : i32
      %dma_wait3A_206 = tpu.memref_slice %arg8[%dma_wait3A, %dma_wait3A_205] : memref<256x128xf32, #tpu.memory_space<vmem>> -> memref<128x128xf32, #tpu.memory_space<vmem>>
      %dma_wait3A_207 = arith.constant 768 : i32
      %dma_wait3A_208 = tpu.memref_slice %arg5[%dma_wait3A_207] : memref<3328xi32, #tpu.memory_space<vmem>> -> memref<128xi32, #tpu.memory_space<vmem>>
      %dma_wait3A_209 = arith.constant 0 : i32
      %dma_wait3A_210 = arith.constant 0 : i32
      %dma_wait3A_211 = tpu.memref_slice %arg6[%dma_wait3A_209, %dma_wait3A_210] : memref<128x128xf32, #tpu.memory_space<vmem_shared>> -> memref<128x128xf32, #tpu.memory_space<vmem_shared>>
      tpu.wait_indirect_dma semaphore(%arg11 : memref<!tpu.dma_semaphore, #tpu.memory_space<semaphore_mem>>) src(%dma_wait3A_211 : memref<128x128xf32, #tpu.memory_space<vmem_shared>>) dst(%dma_wait3A_206 : memref<128x128xf32, #tpu.memory_space<vmem>>)
      %dma_wait3A_212 = arith.constant 128 : i32
      %dma_wait3A_213 = arith.constant 0 : i32
      %dma_wait3A_214 = tpu.memref_slice %arg8[%dma_wait3A_212, %dma_wait3A_213] : memref<256x128xf32, #tpu.memory_space<vmem>> -> memref<128x128xf32, #tpu.memory_space<vmem>>
      %dma_wait3A_215 = arith.constant 896 : i32
      %dma_wait3A_216 = tpu.memref_slice %arg5[%dma_wait3A_215] : memref<3328xi32, #tpu.memory_space<vmem>> -> memref<128xi32, #tpu.memory_space<vmem>>
      %dma_wait3A_217 = arith.constant 0 : i32
      %dma_wait3A_218 = arith.constant 0 : i32
      %dma_wait3A_219 = tpu.memref_slice %arg6[%dma_wait3A_217, %dma_wait3A_218] : memref<128x128xf32, #tpu.memory_space<vmem_shared>> -> memref<128x128xf32, #tpu.memory_space<vmem_shared>>
      tpu.wait_indirect_dma semaphore(%arg11 : memref<!tpu.dma_semaphore, #tpu.memory_space<semaphore_mem>>) src(%dma_wait3A_219 : memref<128x128xf32, #tpu.memory_space<vmem_shared>>) dst(%dma_wait3A_214 : memref<128x128xf32, #tpu.memory_space<vmem>>)
      %dma_start3A = arith.constant 0 : i32
      %dma_start3A_220 = tpu.memref_slice %arg4[%add3A_16, %dma_start3A] : memref<100000x128xf32, #tpu.memory_space<hbm>> -> memref<256x128xf32, #tpu.memory_space<hbm>>
      %dma_start3A_221 = arith.constant 0 : i32
      %dma_start3A_222 = tpu.memref_slice %arg4[%add3A_16, %dma_start3A_221] : memref<100000x128xf32, #tpu.memory_space<hbm>> -> memref<256x128xf32, #tpu.memory_space<hbm>>
      tpu.enqueue_dma source(%arg8 : memref<256x128xf32, #tpu.memory_space<vmem>>) target(%dma_start3A_222 : memref<256x128xf32, #tpu.memory_space<hbm>>) target_semaphore(%arg13 : memref<!tpu.dma_semaphore, #tpu.memory_space<semaphore_mem>>)
    } else {
    }
    %convert_element_type3A_120 = arith.extui %le3A_49 : i1 to i32
    %cond3A_121 = arith.constant 0 : i32
    %cond3A_122 = arith.cmpi ne, %convert_element_type3A_120, %cond3A_121 : i32
    scf.if %cond3A_122 {
      %dma_wait3A = arith.constant 0 : i32
      %dma_wait3A_205 = tpu.memref_slice %arg4[%add3A_16, %dma_wait3A] : memref<100000x128xf32, #tpu.memory_space<hbm>> -> memref<256x128xf32, #tpu.memory_space<hbm>>
      %dma_wait3A_206 = arith.constant 0 : i32
      %dma_wait3A_207 = tpu.memref_slice %arg4[%add3A_16, %dma_wait3A_206] : memref<100000x128xf32, #tpu.memory_space<hbm>> -> memref<256x128xf32, #tpu.memory_space<hbm>>
      tpu.wait_dma2 semaphore(%arg13 : memref<!tpu.dma_semaphore, #tpu.memory_space<semaphore_mem>>) src(%arg8 : memref<256x128xf32, #tpu.memory_space<vmem>>) dst(%dma_wait3A_207 : memref<256x128xf32, #tpu.memory_space<hbm>>)
    } else {
    }
    %convert_element_type3A_123 = arith.extui %le3A_57 : i1 to i32
    %cond3A_124 = arith.constant 0 : i32
    %cond3A_125 = arith.cmpi ne, %convert_element_type3A_123, %cond3A_124 : i32
    scf.if %cond3A_125 {
      %dma_start3A = arith.constant 0 : i32
      %dma_start3A_205 = arith.constant 0 : i32
      %dma_start3A_206 = tpu.memref_slice %arg8[%dma_start3A, %dma_start3A_205] : memref<256x128xf32, #tpu.memory_space<vmem>> -> memref<128x128xf32, #tpu.memory_space<vmem>>
      %dma_start3A_207 = arith.constant 1280 : i32
      %dma_start3A_208 = tpu.memref_slice %arg5[%dma_start3A_207] : memref<3328xi32, #tpu.memory_space<vmem>> -> memref<128xi32, #tpu.memory_space<vmem>>
      %dma_start3A_209 = arith.constant 0 : i32
      %dma_start3A_210 = arith.constant 0 : i32
      %dma_start3A_211 = tpu.memref_slice %arg6[%dma_start3A_209, %dma_start3A_210] : memref<128x128xf32, #tpu.memory_space<vmem_shared>> -> memref<128x128xf32, #tpu.memory_space<vmem_shared>>
      tpu.enqueue_indirect_dma source(%dma_start3A_211 : memref<128x128xf32, #tpu.memory_space<vmem_shared>>) target(%dma_start3A_206 : memref<128x128xf32, #tpu.memory_space<vmem>>) offsets(%dma_start3A_208 : memref<128xi32, #tpu.memory_space<vmem>>) semaphore(%arg11 : memref<!tpu.dma_semaphore, #tpu.memory_space<semaphore_mem>>)
      %dma_start3A_212 = arith.constant 128 : i32
      %dma_start3A_213 = arith.constant 0 : i32
      %dma_start3A_214 = tpu.memref_slice %arg8[%dma_start3A_212, %dma_start3A_213] : memref<256x128xf32, #tpu.memory_space<vmem>> -> memref<128x128xf32, #tpu.memory_space<vmem>>
      %dma_start3A_215 = arith.constant 1408 : i32
      %dma_start3A_216 = tpu.memref_slice %arg5[%dma_start3A_215] : memref<3328xi32, #tpu.memory_space<vmem>> -> memref<128xi32, #tpu.memory_space<vmem>>
      %dma_start3A_217 = arith.constant 0 : i32
      %dma_start3A_218 = arith.constant 0 : i32
      %dma_start3A_219 = tpu.memref_slice %arg6[%dma_start3A_217, %dma_start3A_218] : memref<128x128xf32, #tpu.memory_space<vmem_shared>> -> memref<128x128xf32, #tpu.memory_space<vmem_shared>>
      tpu.enqueue_indirect_dma source(%dma_start3A_219 : memref<128x128xf32, #tpu.memory_space<vmem_shared>>) target(%dma_start3A_214 : memref<128x128xf32, #tpu.memory_space<vmem>>) offsets(%dma_start3A_216 : memref<128xi32, #tpu.memory_space<vmem>>) semaphore(%arg11 : memref<!tpu.dma_semaphore, #tpu.memory_space<semaphore_mem>>)
    } else {
    }
    %convert_element_type3A_126 = arith.extui %le3A_53 : i1 to i32
    %cond3A_127 = arith.constant 0 : i32
    %cond3A_128 = arith.cmpi ne, %convert_element_type3A_126, %cond3A_127 : i32
    scf.if %cond3A_128 {
      %dma_wait3A = arith.constant 0 : i32
      %dma_wait3A_205 = arith.constant 0 : i32
      %dma_wait3A_206 = tpu.memref_slice %arg7[%dma_wait3A, %dma_wait3A_205] : memref<256x128xf32, #tpu.memory_space<vmem>> -> memref<128x128xf32, #tpu.memory_space<vmem>>
      %dma_wait3A_207 = arith.constant 1024 : i32
      %dma_wait3A_208 = tpu.memref_slice %arg5[%dma_wait3A_207] : memref<3328xi32, #tpu.memory_space<vmem>> -> memref<128xi32, #tpu.memory_space<vmem>>
      %dma_wait3A_209 = arith.constant 0 : i32
      %dma_wait3A_210 = arith.constant 0 : i32
      %dma_wait3A_211 = tpu.memref_slice %arg6[%dma_wait3A_209, %dma_wait3A_210] : memref<128x128xf32, #tpu.memory_space<vmem_shared>> -> memref<128x128xf32, #tpu.memory_space<vmem_shared>>
      tpu.wait_indirect_dma semaphore(%arg10 : memref<!tpu.dma_semaphore, #tpu.memory_space<semaphore_mem>>) src(%dma_wait3A_211 : memref<128x128xf32, #tpu.memory_space<vmem_shared>>) dst(%dma_wait3A_206 : memref<128x128xf32, #tpu.memory_space<vmem>>)
      %dma_wait3A_212 = arith.constant 128 : i32
      %dma_wait3A_213 = arith.constant 0 : i32
      %dma_wait3A_214 = tpu.memref_slice %arg7[%dma_wait3A_212, %dma_wait3A_213] : memref<256x128xf32, #tpu.memory_space<vmem>> -> memref<128x128xf32, #tpu.memory_space<vmem>>
      %dma_wait3A_215 = arith.constant 1152 : i32
      %dma_wait3A_216 = tpu.memref_slice %arg5[%dma_wait3A_215] : memref<3328xi32, #tpu.memory_space<vmem>> -> memref<128xi32, #tpu.memory_space<vmem>>
      %dma_wait3A_217 = arith.constant 0 : i32
      %dma_wait3A_218 = arith.constant 0 : i32
      %dma_wait3A_219 = tpu.memref_slice %arg6[%dma_wait3A_217, %dma_wait3A_218] : memref<128x128xf32, #tpu.memory_space<vmem_shared>> -> memref<128x128xf32, #tpu.memory_space<vmem_shared>>
      tpu.wait_indirect_dma semaphore(%arg10 : memref<!tpu.dma_semaphore, #tpu.memory_space<semaphore_mem>>) src(%dma_wait3A_219 : memref<128x128xf32, #tpu.memory_space<vmem_shared>>) dst(%dma_wait3A_214 : memref<128x128xf32, #tpu.memory_space<vmem>>)
      %dma_start3A = arith.constant 0 : i32
      %dma_start3A_220 = tpu.memref_slice %arg4[%add3A_18, %dma_start3A] : memref<100000x128xf32, #tpu.memory_space<hbm>> -> memref<256x128xf32, #tpu.memory_space<hbm>>
      %dma_start3A_221 = arith.constant 0 : i32
      %dma_start3A_222 = tpu.memref_slice %arg4[%add3A_18, %dma_start3A_221] : memref<100000x128xf32, #tpu.memory_space<hbm>> -> memref<256x128xf32, #tpu.memory_space<hbm>>
      tpu.enqueue_dma source(%arg7 : memref<256x128xf32, #tpu.memory_space<vmem>>) target(%dma_start3A_222 : memref<256x128xf32, #tpu.memory_space<hbm>>) target_semaphore(%arg12 : memref<!tpu.dma_semaphore, #tpu.memory_space<semaphore_mem>>)
    } else {
    }
    %convert_element_type3A_129 = arith.extui %le3A_53 : i1 to i32
    %cond3A_130 = arith.constant 0 : i32
    %cond3A_131 = arith.cmpi ne, %convert_element_type3A_129, %cond3A_130 : i32
    scf.if %cond3A_131 {
      %dma_wait3A = arith.constant 0 : i32
      %dma_wait3A_205 = tpu.memref_slice %arg4[%add3A_18, %dma_wait3A] : memref<100000x128xf32, #tpu.memory_space<hbm>> -> memref<256x128xf32, #tpu.memory_space<hbm>>
      %dma_wait3A_206 = arith.constant 0 : i32
      %dma_wait3A_207 = tpu.memref_slice %arg4[%add3A_18, %dma_wait3A_206] : memref<100000x128xf32, #tpu.memory_space<hbm>> -> memref<256x128xf32, #tpu.memory_space<hbm>>
      tpu.wait_dma2 semaphore(%arg12 : memref<!tpu.dma_semaphore, #tpu.memory_space<semaphore_mem>>) src(%arg7 : memref<256x128xf32, #tpu.memory_space<vmem>>) dst(%dma_wait3A_207 : memref<256x128xf32, #tpu.memory_space<hbm>>)
    } else {
    }
    %convert_element_type3A_132 = arith.extui %le3A_61 : i1 to i32
    %cond3A_133 = arith.constant 0 : i32
    %cond3A_134 = arith.cmpi ne, %convert_element_type3A_132, %cond3A_133 : i32
    scf.if %cond3A_134 {
      %dma_start3A = arith.constant 0 : i32
      %dma_start3A_205 = arith.constant 0 : i32
      %dma_start3A_206 = tpu.memref_slice %arg7[%dma_start3A, %dma_start3A_205] : memref<256x128xf32, #tpu.memory_space<vmem>> -> memref<128x128xf32, #tpu.memory_space<vmem>>
      %dma_start3A_207 = arith.constant 1536 : i32
      %dma_start3A_208 = tpu.memref_slice %arg5[%dma_start3A_207] : memref<3328xi32, #tpu.memory_space<vmem>> -> memref<128xi32, #tpu.memory_space<vmem>>
      %dma_start3A_209 = arith.constant 0 : i32
      %dma_start3A_210 = arith.constant 0 : i32
      %dma_start3A_211 = tpu.memref_slice %arg6[%dma_start3A_209, %dma_start3A_210] : memref<128x128xf32, #tpu.memory_space<vmem_shared>> -> memref<128x128xf32, #tpu.memory_space<vmem_shared>>
      tpu.enqueue_indirect_dma source(%dma_start3A_211 : memref<128x128xf32, #tpu.memory_space<vmem_shared>>) target(%dma_start3A_206 : memref<128x128xf32, #tpu.memory_space<vmem>>) offsets(%dma_start3A_208 : memref<128xi32, #tpu.memory_space<vmem>>) semaphore(%arg10 : memref<!tpu.dma_semaphore, #tpu.memory_space<semaphore_mem>>)
      %dma_start3A_212 = arith.constant 128 : i32
      %dma_start3A_213 = arith.constant 0 : i32
      %dma_start3A_214 = tpu.memref_slice %arg7[%dma_start3A_212, %dma_start3A_213] : memref<256x128xf32, #tpu.memory_space<vmem>> -> memref<128x128xf32, #tpu.memory_space<vmem>>
      %dma_start3A_215 = arith.constant 1664 : i32
      %dma_start3A_216 = tpu.memref_slice %arg5[%dma_start3A_215] : memref<3328xi32, #tpu.memory_space<vmem>> -> memref<128xi32, #tpu.memory_space<vmem>>
      %dma_start3A_217 = arith.constant 0 : i32
      %dma_start3A_218 = arith.constant 0 : i32
      %dma_start3A_219 = tpu.memref_slice %arg6[%dma_start3A_217, %dma_start3A_218] : memref<128x128xf32, #tpu.memory_space<vmem_shared>> -> memref<128x128xf32, #tpu.memory_space<vmem_shared>>
      tpu.enqueue_indirect_dma source(%dma_start3A_219 : memref<128x128xf32, #tpu.memory_space<vmem_shared>>) target(%dma_start3A_214 : memref<128x128xf32, #tpu.memory_space<vmem>>) offsets(%dma_start3A_216 : memref<128xi32, #tpu.memory_space<vmem>>) semaphore(%arg10 : memref<!tpu.dma_semaphore, #tpu.memory_space<semaphore_mem>>)
    } else {
    }
    %convert_element_type3A_135 = arith.extui %le3A_57 : i1 to i32
    %cond3A_136 = arith.constant 0 : i32
    %cond3A_137 = arith.cmpi ne, %convert_element_type3A_135, %cond3A_136 : i32
    scf.if %cond3A_137 {
      %dma_wait3A = arith.constant 0 : i32
      %dma_wait3A_205 = arith.constant 0 : i32
      %dma_wait3A_206 = tpu.memref_slice %arg8[%dma_wait3A, %dma_wait3A_205] : memref<256x128xf32, #tpu.memory_space<vmem>> -> memref<128x128xf32, #tpu.memory_space<vmem>>
      %dma_wait3A_207 = arith.constant 1280 : i32
      %dma_wait3A_208 = tpu.memref_slice %arg5[%dma_wait3A_207] : memref<3328xi32, #tpu.memory_space<vmem>> -> memref<128xi32, #tpu.memory_space<vmem>>
      %dma_wait3A_209 = arith.constant 0 : i32
      %dma_wait3A_210 = arith.constant 0 : i32
      %dma_wait3A_211 = tpu.memref_slice %arg6[%dma_wait3A_209, %dma_wait3A_210] : memref<128x128xf32, #tpu.memory_space<vmem_shared>> -> memref<128x128xf32, #tpu.memory_space<vmem_shared>>
      tpu.wait_indirect_dma semaphore(%arg11 : memref<!tpu.dma_semaphore, #tpu.memory_space<semaphore_mem>>) src(%dma_wait3A_211 : memref<128x128xf32, #tpu.memory_space<vmem_shared>>) dst(%dma_wait3A_206 : memref<128x128xf32, #tpu.memory_space<vmem>>)
      %dma_wait3A_212 = arith.constant 128 : i32
      %dma_wait3A_213 = arith.constant 0 : i32
      %dma_wait3A_214 = tpu.memref_slice %arg8[%dma_wait3A_212, %dma_wait3A_213] : memref<256x128xf32, #tpu.memory_space<vmem>> -> memref<128x128xf32, #tpu.memory_space<vmem>>
      %dma_wait3A_215 = arith.constant 1408 : i32
      %dma_wait3A_216 = tpu.memref_slice %arg5[%dma_wait3A_215] : memref<3328xi32, #tpu.memory_space<vmem>> -> memref<128xi32, #tpu.memory_space<vmem>>
      %dma_wait3A_217 = arith.constant 0 : i32
      %dma_wait3A_218 = arith.constant 0 : i32
      %dma_wait3A_219 = tpu.memref_slice %arg6[%dma_wait3A_217, %dma_wait3A_218] : memref<128x128xf32, #tpu.memory_space<vmem_shared>> -> memref<128x128xf32, #tpu.memory_space<vmem_shared>>
      tpu.wait_indirect_dma semaphore(%arg11 : memref<!tpu.dma_semaphore, #tpu.memory_space<semaphore_mem>>) src(%dma_wait3A_219 : memref<128x128xf32, #tpu.memory_space<vmem_shared>>) dst(%dma_wait3A_214 : memref<128x128xf32, #tpu.memory_space<vmem>>)
      %dma_start3A = arith.constant 0 : i32
      %dma_start3A_220 = tpu.memref_slice %arg4[%add3A_20, %dma_start3A] : memref<100000x128xf32, #tpu.memory_space<hbm>> -> memref<256x128xf32, #tpu.memory_space<hbm>>
      %dma_start3A_221 = arith.constant 0 : i32
      %dma_start3A_222 = tpu.memref_slice %arg4[%add3A_20, %dma_start3A_221] : memref<100000x128xf32, #tpu.memory_space<hbm>> -> memref<256x128xf32, #tpu.memory_space<hbm>>
      tpu.enqueue_dma source(%arg8 : memref<256x128xf32, #tpu.memory_space<vmem>>) target(%dma_start3A_222 : memref<256x128xf32, #tpu.memory_space<hbm>>) target_semaphore(%arg13 : memref<!tpu.dma_semaphore, #tpu.memory_space<semaphore_mem>>)
    } else {
    }
    %convert_element_type3A_138 = arith.extui %le3A_57 : i1 to i32
    %cond3A_139 = arith.constant 0 : i32
    %cond3A_140 = arith.cmpi ne, %convert_element_type3A_138, %cond3A_139 : i32
    scf.if %cond3A_140 {
      %dma_wait3A = arith.constant 0 : i32
      %dma_wait3A_205 = tpu.memref_slice %arg4[%add3A_20, %dma_wait3A] : memref<100000x128xf32, #tpu.memory_space<hbm>> -> memref<256x128xf32, #tpu.memory_space<hbm>>
      %dma_wait3A_206 = arith.constant 0 : i32
      %dma_wait3A_207 = tpu.memref_slice %arg4[%add3A_20, %dma_wait3A_206] : memref<100000x128xf32, #tpu.memory_space<hbm>> -> memref<256x128xf32, #tpu.memory_space<hbm>>
      tpu.wait_dma2 semaphore(%arg13 : memref<!tpu.dma_semaphore, #tpu.memory_space<semaphore_mem>>) src(%arg8 : memref<256x128xf32, #tpu.memory_space<vmem>>) dst(%dma_wait3A_207 : memref<256x128xf32, #tpu.memory_space<hbm>>)
    } else {
    }
    %convert_element_type3A_141 = arith.extui %le3A_65 : i1 to i32
    %cond3A_142 = arith.constant 0 : i32
    %cond3A_143 = arith.cmpi ne, %convert_element_type3A_141, %cond3A_142 : i32
    scf.if %cond3A_143 {
      %dma_start3A = arith.constant 0 : i32
      %dma_start3A_205 = arith.constant 0 : i32
      %dma_start3A_206 = tpu.memref_slice %arg8[%dma_start3A, %dma_start3A_205] : memref<256x128xf32, #tpu.memory_space<vmem>> -> memref<128x128xf32, #tpu.memory_space<vmem>>
      %dma_start3A_207 = arith.constant 1792 : i32
      %dma_start3A_208 = tpu.memref_slice %arg5[%dma_start3A_207] : memref<3328xi32, #tpu.memory_space<vmem>> -> memref<128xi32, #tpu.memory_space<vmem>>
      %dma_start3A_209 = arith.constant 0 : i32
      %dma_start3A_210 = arith.constant 0 : i32
      %dma_start3A_211 = tpu.memref_slice %arg6[%dma_start3A_209, %dma_start3A_210] : memref<128x128xf32, #tpu.memory_space<vmem_shared>> -> memref<128x128xf32, #tpu.memory_space<vmem_shared>>
      tpu.enqueue_indirect_dma source(%dma_start3A_211 : memref<128x128xf32, #tpu.memory_space<vmem_shared>>) target(%dma_start3A_206 : memref<128x128xf32, #tpu.memory_space<vmem>>) offsets(%dma_start3A_208 : memref<128xi32, #tpu.memory_space<vmem>>) semaphore(%arg11 : memref<!tpu.dma_semaphore, #tpu.memory_space<semaphore_mem>>)
      %dma_start3A_212 = arith.constant 128 : i32
      %dma_start3A_213 = arith.constant 0 : i32
      %dma_start3A_214 = tpu.memref_slice %arg8[%dma_start3A_212, %dma_start3A_213] : memref<256x128xf32, #tpu.memory_space<vmem>> -> memref<128x128xf32, #tpu.memory_space<vmem>>
      %dma_start3A_215 = arith.constant 1920 : i32
      %dma_start3A_216 = tpu.memref_slice %arg5[%dma_start3A_215] : memref<3328xi32, #tpu.memory_space<vmem>> -> memref<128xi32, #tpu.memory_space<vmem>>
      %dma_start3A_217 = arith.constant 0 : i32
      %dma_start3A_218 = arith.constant 0 : i32
      %dma_start3A_219 = tpu.memref_slice %arg6[%dma_start3A_217, %dma_start3A_218] : memref<128x128xf32, #tpu.memory_space<vmem_shared>> -> memref<128x128xf32, #tpu.memory_space<vmem_shared>>
      tpu.enqueue_indirect_dma source(%dma_start3A_219 : memref<128x128xf32, #tpu.memory_space<vmem_shared>>) target(%dma_start3A_214 : memref<128x128xf32, #tpu.memory_space<vmem>>) offsets(%dma_start3A_216 : memref<128xi32, #tpu.memory_space<vmem>>) semaphore(%arg11 : memref<!tpu.dma_semaphore, #tpu.memory_space<semaphore_mem>>)
    } else {
    }
    %convert_element_type3A_144 = arith.extui %le3A_61 : i1 to i32
    %cond3A_145 = arith.constant 0 : i32
    %cond3A_146 = arith.cmpi ne, %convert_element_type3A_144, %cond3A_145 : i32
    scf.if %cond3A_146 {
      %dma_wait3A = arith.constant 0 : i32
      %dma_wait3A_205 = arith.constant 0 : i32
      %dma_wait3A_206 = tpu.memref_slice %arg7[%dma_wait3A, %dma_wait3A_205] : memref<256x128xf32, #tpu.memory_space<vmem>> -> memref<128x128xf32, #tpu.memory_space<vmem>>
      %dma_wait3A_207 = arith.constant 1536 : i32
      %dma_wait3A_208 = tpu.memref_slice %arg5[%dma_wait3A_207] : memref<3328xi32, #tpu.memory_space<vmem>> -> memref<128xi32, #tpu.memory_space<vmem>>
      %dma_wait3A_209 = arith.constant 0 : i32
      %dma_wait3A_210 = arith.constant 0 : i32
      %dma_wait3A_211 = tpu.memref_slice %arg6[%dma_wait3A_209, %dma_wait3A_210] : memref<128x128xf32, #tpu.memory_space<vmem_shared>> -> memref<128x128xf32, #tpu.memory_space<vmem_shared>>
      tpu.wait_indirect_dma semaphore(%arg10 : memref<!tpu.dma_semaphore, #tpu.memory_space<semaphore_mem>>) src(%dma_wait3A_211 : memref<128x128xf32, #tpu.memory_space<vmem_shared>>) dst(%dma_wait3A_206 : memref<128x128xf32, #tpu.memory_space<vmem>>)
      %dma_wait3A_212 = arith.constant 128 : i32
      %dma_wait3A_213 = arith.constant 0 : i32
      %dma_wait3A_214 = tpu.memref_slice %arg7[%dma_wait3A_212, %dma_wait3A_213] : memref<256x128xf32, #tpu.memory_space<vmem>> -> memref<128x128xf32, #tpu.memory_space<vmem>>
      %dma_wait3A_215 = arith.constant 1664 : i32
      %dma_wait3A_216 = tpu.memref_slice %arg5[%dma_wait3A_215] : memref<3328xi32, #tpu.memory_space<vmem>> -> memref<128xi32, #tpu.memory_space<vmem>>
      %dma_wait3A_217 = arith.constant 0 : i32
      %dma_wait3A_218 = arith.constant 0 : i32
      %dma_wait3A_219 = tpu.memref_slice %arg6[%dma_wait3A_217, %dma_wait3A_218] : memref<128x128xf32, #tpu.memory_space<vmem_shared>> -> memref<128x128xf32, #tpu.memory_space<vmem_shared>>
      tpu.wait_indirect_dma semaphore(%arg10 : memref<!tpu.dma_semaphore, #tpu.memory_space<semaphore_mem>>) src(%dma_wait3A_219 : memref<128x128xf32, #tpu.memory_space<vmem_shared>>) dst(%dma_wait3A_214 : memref<128x128xf32, #tpu.memory_space<vmem>>)
      %dma_start3A = arith.constant 0 : i32
      %dma_start3A_220 = tpu.memref_slice %arg4[%add3A_22, %dma_start3A] : memref<100000x128xf32, #tpu.memory_space<hbm>> -> memref<256x128xf32, #tpu.memory_space<hbm>>
      %dma_start3A_221 = arith.constant 0 : i32
      %dma_start3A_222 = tpu.memref_slice %arg4[%add3A_22, %dma_start3A_221] : memref<100000x128xf32, #tpu.memory_space<hbm>> -> memref<256x128xf32, #tpu.memory_space<hbm>>
      tpu.enqueue_dma source(%arg7 : memref<256x128xf32, #tpu.memory_space<vmem>>) target(%dma_start3A_222 : memref<256x128xf32, #tpu.memory_space<hbm>>) target_semaphore(%arg12 : memref<!tpu.dma_semaphore, #tpu.memory_space<semaphore_mem>>)
    } else {
    }
    %convert_element_type3A_147 = arith.extui %le3A_61 : i1 to i32
    %cond3A_148 = arith.constant 0 : i32
    %cond3A_149 = arith.cmpi ne, %convert_element_type3A_147, %cond3A_148 : i32
    scf.if %cond3A_149 {
      %dma_wait3A = arith.constant 0 : i32
      %dma_wait3A_205 = tpu.memref_slice %arg4[%add3A_22, %dma_wait3A] : memref<100000x128xf32, #tpu.memory_space<hbm>> -> memref<256x128xf32, #tpu.memory_space<hbm>>
      %dma_wait3A_206 = arith.constant 0 : i32
      %dma_wait3A_207 = tpu.memref_slice %arg4[%add3A_22, %dma_wait3A_206] : memref<100000x128xf32, #tpu.memory_space<hbm>> -> memref<256x128xf32, #tpu.memory_space<hbm>>
      tpu.wait_dma2 semaphore(%arg12 : memref<!tpu.dma_semaphore, #tpu.memory_space<semaphore_mem>>) src(%arg7 : memref<256x128xf32, #tpu.memory_space<vmem>>) dst(%dma_wait3A_207 : memref<256x128xf32, #tpu.memory_space<hbm>>)
    } else {
    }
    %convert_element_type3A_150 = arith.extui %le3A_69 : i1 to i32
    %cond3A_151 = arith.constant 0 : i32
    %cond3A_152 = arith.cmpi ne, %convert_element_type3A_150, %cond3A_151 : i32
    scf.if %cond3A_152 {
      %dma_start3A = arith.constant 0 : i32
      %dma_start3A_205 = arith.constant 0 : i32
      %dma_start3A_206 = tpu.memref_slice %arg7[%dma_start3A, %dma_start3A_205] : memref<256x128xf32, #tpu.memory_space<vmem>> -> memref<128x128xf32, #tpu.memory_space<vmem>>
      %dma_start3A_207 = arith.constant 2048 : i32
      %dma_start3A_208 = tpu.memref_slice %arg5[%dma_start3A_207] : memref<3328xi32, #tpu.memory_space<vmem>> -> memref<128xi32, #tpu.memory_space<vmem>>
      %dma_start3A_209 = arith.constant 0 : i32
      %dma_start3A_210 = arith.constant 0 : i32
      %dma_start3A_211 = tpu.memref_slice %arg6[%dma_start3A_209, %dma_start3A_210] : memref<128x128xf32, #tpu.memory_space<vmem_shared>> -> memref<128x128xf32, #tpu.memory_space<vmem_shared>>
      tpu.enqueue_indirect_dma source(%dma_start3A_211 : memref<128x128xf32, #tpu.memory_space<vmem_shared>>) target(%dma_start3A_206 : memref<128x128xf32, #tpu.memory_space<vmem>>) offsets(%dma_start3A_208 : memref<128xi32, #tpu.memory_space<vmem>>) semaphore(%arg10 : memref<!tpu.dma_semaphore, #tpu.memory_space<semaphore_mem>>)
      %dma_start3A_212 = arith.constant 128 : i32
      %dma_start3A_213 = arith.constant 0 : i32
      %dma_start3A_214 = tpu.memref_slice %arg7[%dma_start3A_212, %dma_start3A_213] : memref<256x128xf32, #tpu.memory_space<vmem>> -> memref<128x128xf32, #tpu.memory_space<vmem>>
      %dma_start3A_215 = arith.constant 2176 : i32
      %dma_start3A_216 = tpu.memref_slice %arg5[%dma_start3A_215] : memref<3328xi32, #tpu.memory_space<vmem>> -> memref<128xi32, #tpu.memory_space<vmem>>
      %dma_start3A_217 = arith.constant 0 : i32
      %dma_start3A_218 = arith.constant 0 : i32
      %dma_start3A_219 = tpu.memref_slice %arg6[%dma_start3A_217, %dma_start3A_218] : memref<128x128xf32, #tpu.memory_space<vmem_shared>> -> memref<128x128xf32, #tpu.memory_space<vmem_shared>>
      tpu.enqueue_indirect_dma source(%dma_start3A_219 : memref<128x128xf32, #tpu.memory_space<vmem_shared>>) target(%dma_start3A_214 : memref<128x128xf32, #tpu.memory_space<vmem>>) offsets(%dma_start3A_216 : memref<128xi32, #tpu.memory_space<vmem>>) semaphore(%arg10 : memref<!tpu.dma_semaphore, #tpu.memory_space<semaphore_mem>>)
    } else {
    }
    %convert_element_type3A_153 = arith.extui %le3A_65 : i1 to i32
    %cond3A_154 = arith.constant 0 : i32
    %cond3A_155 = arith.cmpi ne, %convert_element_type3A_153, %cond3A_154 : i32
    scf.if %cond3A_155 {
      %dma_wait3A = arith.constant 0 : i32
      %dma_wait3A_205 = arith.constant 0 : i32
      %dma_wait3A_206 = tpu.memref_slice %arg8[%dma_wait3A, %dma_wait3A_205] : memref<256x128xf32, #tpu.memory_space<vmem>> -> memref<128x128xf32, #tpu.memory_space<vmem>>
      %dma_wait3A_207 = arith.constant 1792 : i32
      %dma_wait3A_208 = tpu.memref_slice %arg5[%dma_wait3A_207] : memref<3328xi32, #tpu.memory_space<vmem>> -> memref<128xi32, #tpu.memory_space<vmem>>
      %dma_wait3A_209 = arith.constant 0 : i32
      %dma_wait3A_210 = arith.constant 0 : i32
      %dma_wait3A_211 = tpu.memref_slice %arg6[%dma_wait3A_209, %dma_wait3A_210] : memref<128x128xf32, #tpu.memory_space<vmem_shared>> -> memref<128x128xf32, #tpu.memory_space<vmem_shared>>
      tpu.wait_indirect_dma semaphore(%arg11 : memref<!tpu.dma_semaphore, #tpu.memory_space<semaphore_mem>>) src(%dma_wait3A_211 : memref<128x128xf32, #tpu.memory_space<vmem_shared>>) dst(%dma_wait3A_206 : memref<128x128xf32, #tpu.memory_space<vmem>>)
      %dma_wait3A_212 = arith.constant 128 : i32
      %dma_wait3A_213 = arith.constant 0 : i32
      %dma_wait3A_214 = tpu.memref_slice %arg8[%dma_wait3A_212, %dma_wait3A_213] : memref<256x128xf32, #tpu.memory_space<vmem>> -> memref<128x128xf32, #tpu.memory_space<vmem>>
      %dma_wait3A_215 = arith.constant 1920 : i32
      %dma_wait3A_216 = tpu.memref_slice %arg5[%dma_wait3A_215] : memref<3328xi32, #tpu.memory_space<vmem>> -> memref<128xi32, #tpu.memory_space<vmem>>
      %dma_wait3A_217 = arith.constant 0 : i32
      %dma_wait3A_218 = arith.constant 0 : i32
      %dma_wait3A_219 = tpu.memref_slice %arg6[%dma_wait3A_217, %dma_wait3A_218] : memref<128x128xf32, #tpu.memory_space<vmem_shared>> -> memref<128x128xf32, #tpu.memory_space<vmem_shared>>
      tpu.wait_indirect_dma semaphore(%arg11 : memref<!tpu.dma_semaphore, #tpu.memory_space<semaphore_mem>>) src(%dma_wait3A_219 : memref<128x128xf32, #tpu.memory_space<vmem_shared>>) dst(%dma_wait3A_214 : memref<128x128xf32, #tpu.memory_space<vmem>>)
      %dma_start3A = arith.constant 0 : i32
      %dma_start3A_220 = tpu.memref_slice %arg4[%add3A_24, %dma_start3A] : memref<100000x128xf32, #tpu.memory_space<hbm>> -> memref<256x128xf32, #tpu.memory_space<hbm>>
      %dma_start3A_221 = arith.constant 0 : i32
      %dma_start3A_222 = tpu.memref_slice %arg4[%add3A_24, %dma_start3A_221] : memref<100000x128xf32, #tpu.memory_space<hbm>> -> memref<256x128xf32, #tpu.memory_space<hbm>>
      tpu.enqueue_dma source(%arg8 : memref<256x128xf32, #tpu.memory_space<vmem>>) target(%dma_start3A_222 : memref<256x128xf32, #tpu.memory_space<hbm>>) target_semaphore(%arg13 : memref<!tpu.dma_semaphore, #tpu.memory_space<semaphore_mem>>)
    } else {
    }
    %convert_element_type3A_156 = arith.extui %le3A_65 : i1 to i32
    %cond3A_157 = arith.constant 0 : i32
    %cond3A_158 = arith.cmpi ne, %convert_element_type3A_156, %cond3A_157 : i32
    scf.if %cond3A_158 {
      %dma_wait3A = arith.constant 0 : i32
      %dma_wait3A_205 = tpu.memref_slice %arg4[%add3A_24, %dma_wait3A] : memref<100000x128xf32, #tpu.memory_space<hbm>> -> memref<256x128xf32, #tpu.memory_space<hbm>>
      %dma_wait3A_206 = arith.constant 0 : i32
      %dma_wait3A_207 = tpu.memref_slice %arg4[%add3A_24, %dma_wait3A_206] : memref<100000x128xf32, #tpu.memory_space<hbm>> -> memref<256x128xf32, #tpu.memory_space<hbm>>
      tpu.wait_dma2 semaphore(%arg13 : memref<!tpu.dma_semaphore, #tpu.memory_space<semaphore_mem>>) src(%arg8 : memref<256x128xf32, #tpu.memory_space<vmem>>) dst(%dma_wait3A_207 : memref<256x128xf32, #tpu.memory_space<hbm>>)
    } else {
    }
    %convert_element_type3A_159 = arith.extui %le3A_73 : i1 to i32
    %cond3A_160 = arith.constant 0 : i32
    %cond3A_161 = arith.cmpi ne, %convert_element_type3A_159, %cond3A_160 : i32
    scf.if %cond3A_161 {
      %dma_start3A = arith.constant 0 : i32
      %dma_start3A_205 = arith.constant 0 : i32
      %dma_start3A_206 = tpu.memref_slice %arg8[%dma_start3A, %dma_start3A_205] : memref<256x128xf32, #tpu.memory_space<vmem>> -> memref<128x128xf32, #tpu.memory_space<vmem>>
      %dma_start3A_207 = arith.constant 2304 : i32
      %dma_start3A_208 = tpu.memref_slice %arg5[%dma_start3A_207] : memref<3328xi32, #tpu.memory_space<vmem>> -> memref<128xi32, #tpu.memory_space<vmem>>
      %dma_start3A_209 = arith.constant 0 : i32
      %dma_start3A_210 = arith.constant 0 : i32
      %dma_start3A_211 = tpu.memref_slice %arg6[%dma_start3A_209, %dma_start3A_210] : memref<128x128xf32, #tpu.memory_space<vmem_shared>> -> memref<128x128xf32, #tpu.memory_space<vmem_shared>>
      tpu.enqueue_indirect_dma source(%dma_start3A_211 : memref<128x128xf32, #tpu.memory_space<vmem_shared>>) target(%dma_start3A_206 : memref<128x128xf32, #tpu.memory_space<vmem>>) offsets(%dma_start3A_208 : memref<128xi32, #tpu.memory_space<vmem>>) semaphore(%arg11 : memref<!tpu.dma_semaphore, #tpu.memory_space<semaphore_mem>>)
      %dma_start3A_212 = arith.constant 128 : i32
      %dma_start3A_213 = arith.constant 0 : i32
      %dma_start3A_214 = tpu.memref_slice %arg8[%dma_start3A_212, %dma_start3A_213] : memref<256x128xf32, #tpu.memory_space<vmem>> -> memref<128x128xf32, #tpu.memory_space<vmem>>
      %dma_start3A_215 = arith.constant 2432 : i32
      %dma_start3A_216 = tpu.memref_slice %arg5[%dma_start3A_215] : memref<3328xi32, #tpu.memory_space<vmem>> -> memref<128xi32, #tpu.memory_space<vmem>>
      %dma_start3A_217 = arith.constant 0 : i32
      %dma_start3A_218 = arith.constant 0 : i32
      %dma_start3A_219 = tpu.memref_slice %arg6[%dma_start3A_217, %dma_start3A_218] : memref<128x128xf32, #tpu.memory_space<vmem_shared>> -> memref<128x128xf32, #tpu.memory_space<vmem_shared>>
      tpu.enqueue_indirect_dma source(%dma_start3A_219 : memref<128x128xf32, #tpu.memory_space<vmem_shared>>) target(%dma_start3A_214 : memref<128x128xf32, #tpu.memory_space<vmem>>) offsets(%dma_start3A_216 : memref<128xi32, #tpu.memory_space<vmem>>) semaphore(%arg11 : memref<!tpu.dma_semaphore, #tpu.memory_space<semaphore_mem>>)
    } else {
    }
    %convert_element_type3A_162 = arith.extui %le3A_69 : i1 to i32
    %cond3A_163 = arith.constant 0 : i32
    %cond3A_164 = arith.cmpi ne, %convert_element_type3A_162, %cond3A_163 : i32
    scf.if %cond3A_164 {
      %dma_wait3A = arith.constant 0 : i32
      %dma_wait3A_205 = arith.constant 0 : i32
      %dma_wait3A_206 = tpu.memref_slice %arg7[%dma_wait3A, %dma_wait3A_205] : memref<256x128xf32, #tpu.memory_space<vmem>> -> memref<128x128xf32, #tpu.memory_space<vmem>>
      %dma_wait3A_207 = arith.constant 2048 : i32
      %dma_wait3A_208 = tpu.memref_slice %arg5[%dma_wait3A_207] : memref<3328xi32, #tpu.memory_space<vmem>> -> memref<128xi32, #tpu.memory_space<vmem>>
      %dma_wait3A_209 = arith.constant 0 : i32
      %dma_wait3A_210 = arith.constant 0 : i32
      %dma_wait3A_211 = tpu.memref_slice %arg6[%dma_wait3A_209, %dma_wait3A_210] : memref<128x128xf32, #tpu.memory_space<vmem_shared>> -> memref<128x128xf32, #tpu.memory_space<vmem_shared>>
      tpu.wait_indirect_dma semaphore(%arg10 : memref<!tpu.dma_semaphore, #tpu.memory_space<semaphore_mem>>) src(%dma_wait3A_211 : memref<128x128xf32, #tpu.memory_space<vmem_shared>>) dst(%dma_wait3A_206 : memref<128x128xf32, #tpu.memory_space<vmem>>)
      %dma_wait3A_212 = arith.constant 128 : i32
      %dma_wait3A_213 = arith.constant 0 : i32
      %dma_wait3A_214 = tpu.memref_slice %arg7[%dma_wait3A_212, %dma_wait3A_213] : memref<256x128xf32, #tpu.memory_space<vmem>> -> memref<128x128xf32, #tpu.memory_space<vmem>>
      %dma_wait3A_215 = arith.constant 2176 : i32
      %dma_wait3A_216 = tpu.memref_slice %arg5[%dma_wait3A_215] : memref<3328xi32, #tpu.memory_space<vmem>> -> memref<128xi32, #tpu.memory_space<vmem>>
      %dma_wait3A_217 = arith.constant 0 : i32
      %dma_wait3A_218 = arith.constant 0 : i32
      %dma_wait3A_219 = tpu.memref_slice %arg6[%dma_wait3A_217, %dma_wait3A_218] : memref<128x128xf32, #tpu.memory_space<vmem_shared>> -> memref<128x128xf32, #tpu.memory_space<vmem_shared>>
      tpu.wait_indirect_dma semaphore(%arg10 : memref<!tpu.dma_semaphore, #tpu.memory_space<semaphore_mem>>) src(%dma_wait3A_219 : memref<128x128xf32, #tpu.memory_space<vmem_shared>>) dst(%dma_wait3A_214 : memref<128x128xf32, #tpu.memory_space<vmem>>)
      %dma_start3A = arith.constant 0 : i32
      %dma_start3A_220 = tpu.memref_slice %arg4[%add3A_26, %dma_start3A] : memref<100000x128xf32, #tpu.memory_space<hbm>> -> memref<256x128xf32, #tpu.memory_space<hbm>>
      %dma_start3A_221 = arith.constant 0 : i32
      %dma_start3A_222 = tpu.memref_slice %arg4[%add3A_26, %dma_start3A_221] : memref<100000x128xf32, #tpu.memory_space<hbm>> -> memref<256x128xf32, #tpu.memory_space<hbm>>
      tpu.enqueue_dma source(%arg7 : memref<256x128xf32, #tpu.memory_space<vmem>>) target(%dma_start3A_222 : memref<256x128xf32, #tpu.memory_space<hbm>>) target_semaphore(%arg12 : memref<!tpu.dma_semaphore, #tpu.memory_space<semaphore_mem>>)
    } else {
    }
    %convert_element_type3A_165 = arith.extui %le3A_69 : i1 to i32
    %cond3A_166 = arith.constant 0 : i32
    %cond3A_167 = arith.cmpi ne, %convert_element_type3A_165, %cond3A_166 : i32
    scf.if %cond3A_167 {
      %dma_wait3A = arith.constant 0 : i32
      %dma_wait3A_205 = tpu.memref_slice %arg4[%add3A_26, %dma_wait3A] : memref<100000x128xf32, #tpu.memory_space<hbm>> -> memref<256x128xf32, #tpu.memory_space<hbm>>
      %dma_wait3A_206 = arith.constant 0 : i32
      %dma_wait3A_207 = tpu.memref_slice %arg4[%add3A_26, %dma_wait3A_206] : memref<100000x128xf32, #tpu.memory_space<hbm>> -> memref<256x128xf32, #tpu.memory_space<hbm>>
      tpu.wait_dma2 semaphore(%arg12 : memref<!tpu.dma_semaphore, #tpu.memory_space<semaphore_mem>>) src(%arg7 : memref<256x128xf32, #tpu.memory_space<vmem>>) dst(%dma_wait3A_207 : memref<256x128xf32, #tpu.memory_space<hbm>>)
    } else {
    }
    %convert_element_type3A_168 = arith.extui %le3A_77 : i1 to i32
    %cond3A_169 = arith.constant 0 : i32
    %cond3A_170 = arith.cmpi ne, %convert_element_type3A_168, %cond3A_169 : i32
    scf.if %cond3A_170 {
      %dma_start3A = arith.constant 0 : i32
      %dma_start3A_205 = arith.constant 0 : i32
      %dma_start3A_206 = tpu.memref_slice %arg7[%dma_start3A, %dma_start3A_205] : memref<256x128xf32, #tpu.memory_space<vmem>> -> memref<128x128xf32, #tpu.memory_space<vmem>>
      %dma_start3A_207 = arith.constant 2560 : i32
      %dma_start3A_208 = tpu.memref_slice %arg5[%dma_start3A_207] : memref<3328xi32, #tpu.memory_space<vmem>> -> memref<128xi32, #tpu.memory_space<vmem>>
      %dma_start3A_209 = arith.constant 0 : i32
      %dma_start3A_210 = arith.constant 0 : i32
      %dma_start3A_211 = tpu.memref_slice %arg6[%dma_start3A_209, %dma_start3A_210] : memref<128x128xf32, #tpu.memory_space<vmem_shared>> -> memref<128x128xf32, #tpu.memory_space<vmem_shared>>
      tpu.enqueue_indirect_dma source(%dma_start3A_211 : memref<128x128xf32, #tpu.memory_space<vmem_shared>>) target(%dma_start3A_206 : memref<128x128xf32, #tpu.memory_space<vmem>>) offsets(%dma_start3A_208 : memref<128xi32, #tpu.memory_space<vmem>>) semaphore(%arg10 : memref<!tpu.dma_semaphore, #tpu.memory_space<semaphore_mem>>)
      %dma_start3A_212 = arith.constant 128 : i32
      %dma_start3A_213 = arith.constant 0 : i32
      %dma_start3A_214 = tpu.memref_slice %arg7[%dma_start3A_212, %dma_start3A_213] : memref<256x128xf32, #tpu.memory_space<vmem>> -> memref<128x128xf32, #tpu.memory_space<vmem>>
      %dma_start3A_215 = arith.constant 2688 : i32
      %dma_start3A_216 = tpu.memref_slice %arg5[%dma_start3A_215] : memref<3328xi32, #tpu.memory_space<vmem>> -> memref<128xi32, #tpu.memory_space<vmem>>
      %dma_start3A_217 = arith.constant 0 : i32
      %dma_start3A_218 = arith.constant 0 : i32
      %dma_start3A_219 = tpu.memref_slice %arg6[%dma_start3A_217, %dma_start3A_218] : memref<128x128xf32, #tpu.memory_space<vmem_shared>> -> memref<128x128xf32, #tpu.memory_space<vmem_shared>>
      tpu.enqueue_indirect_dma source(%dma_start3A_219 : memref<128x128xf32, #tpu.memory_space<vmem_shared>>) target(%dma_start3A_214 : memref<128x128xf32, #tpu.memory_space<vmem>>) offsets(%dma_start3A_216 : memref<128xi32, #tpu.memory_space<vmem>>) semaphore(%arg10 : memref<!tpu.dma_semaphore, #tpu.memory_space<semaphore_mem>>)
    } else {
    }
    %convert_element_type3A_171 = arith.extui %le3A_73 : i1 to i32
    %cond3A_172 = arith.constant 0 : i32
    %cond3A_173 = arith.cmpi ne, %convert_element_type3A_171, %cond3A_172 : i32
    scf.if %cond3A_173 {
      %dma_wait3A = arith.constant 0 : i32
      %dma_wait3A_205 = arith.constant 0 : i32
      %dma_wait3A_206 = tpu.memref_slice %arg8[%dma_wait3A, %dma_wait3A_205] : memref<256x128xf32, #tpu.memory_space<vmem>> -> memref<128x128xf32, #tpu.memory_space<vmem>>
      %dma_wait3A_207 = arith.constant 2304 : i32
      %dma_wait3A_208 = tpu.memref_slice %arg5[%dma_wait3A_207] : memref<3328xi32, #tpu.memory_space<vmem>> -> memref<128xi32, #tpu.memory_space<vmem>>
      %dma_wait3A_209 = arith.constant 0 : i32
      %dma_wait3A_210 = arith.constant 0 : i32
      %dma_wait3A_211 = tpu.memref_slice %arg6[%dma_wait3A_209, %dma_wait3A_210] : memref<128x128xf32, #tpu.memory_space<vmem_shared>> -> memref<128x128xf32, #tpu.memory_space<vmem_shared>>
      tpu.wait_indirect_dma semaphore(%arg11 : memref<!tpu.dma_semaphore, #tpu.memory_space<semaphore_mem>>) src(%dma_wait3A_211 : memref<128x128xf32, #tpu.memory_space<vmem_shared>>) dst(%dma_wait3A_206 : memref<128x128xf32, #tpu.memory_space<vmem>>)
      %dma_wait3A_212 = arith.constant 128 : i32
      %dma_wait3A_213 = arith.constant 0 : i32
      %dma_wait3A_214 = tpu.memref_slice %arg8[%dma_wait3A_212, %dma_wait3A_213] : memref<256x128xf32, #tpu.memory_space<vmem>> -> memref<128x128xf32, #tpu.memory_space<vmem>>
      %dma_wait3A_215 = arith.constant 2432 : i32
      %dma_wait3A_216 = tpu.memref_slice %arg5[%dma_wait3A_215] : memref<3328xi32, #tpu.memory_space<vmem>> -> memref<128xi32, #tpu.memory_space<vmem>>
      %dma_wait3A_217 = arith.constant 0 : i32
      %dma_wait3A_218 = arith.constant 0 : i32
      %dma_wait3A_219 = tpu.memref_slice %arg6[%dma_wait3A_217, %dma_wait3A_218] : memref<128x128xf32, #tpu.memory_space<vmem_shared>> -> memref<128x128xf32, #tpu.memory_space<vmem_shared>>
      tpu.wait_indirect_dma semaphore(%arg11 : memref<!tpu.dma_semaphore, #tpu.memory_space<semaphore_mem>>) src(%dma_wait3A_219 : memref<128x128xf32, #tpu.memory_space<vmem_shared>>) dst(%dma_wait3A_214 : memref<128x128xf32, #tpu.memory_space<vmem>>)
      %dma_start3A = arith.constant 0 : i32
      %dma_start3A_220 = tpu.memref_slice %arg4[%add3A_28, %dma_start3A] : memref<100000x128xf32, #tpu.memory_space<hbm>> -> memref<256x128xf32, #tpu.memory_space<hbm>>
      %dma_start3A_221 = arith.constant 0 : i32
      %dma_start3A_222 = tpu.memref_slice %arg4[%add3A_28, %dma_start3A_221] : memref<100000x128xf32, #tpu.memory_space<hbm>> -> memref<256x128xf32, #tpu.memory_space<hbm>>
      tpu.enqueue_dma source(%arg8 : memref<256x128xf32, #tpu.memory_space<vmem>>) target(%dma_start3A_222 : memref<256x128xf32, #tpu.memory_space<hbm>>) target_semaphore(%arg13 : memref<!tpu.dma_semaphore, #tpu.memory_space<semaphore_mem>>)
    } else {
    }
    %convert_element_type3A_174 = arith.extui %le3A_73 : i1 to i32
    %cond3A_175 = arith.constant 0 : i32
    %cond3A_176 = arith.cmpi ne, %convert_element_type3A_174, %cond3A_175 : i32
    scf.if %cond3A_176 {
      %dma_wait3A = arith.constant 0 : i32
      %dma_wait3A_205 = tpu.memref_slice %arg4[%add3A_28, %dma_wait3A] : memref<100000x128xf32, #tpu.memory_space<hbm>> -> memref<256x128xf32, #tpu.memory_space<hbm>>
      %dma_wait3A_206 = arith.constant 0 : i32
      %dma_wait3A_207 = tpu.memref_slice %arg4[%add3A_28, %dma_wait3A_206] : memref<100000x128xf32, #tpu.memory_space<hbm>> -> memref<256x128xf32, #tpu.memory_space<hbm>>
      tpu.wait_dma2 semaphore(%arg13 : memref<!tpu.dma_semaphore, #tpu.memory_space<semaphore_mem>>) src(%arg8 : memref<256x128xf32, #tpu.memory_space<vmem>>) dst(%dma_wait3A_207 : memref<256x128xf32, #tpu.memory_space<hbm>>)
    } else {
    }
    %convert_element_type3A_177 = arith.extui %le3A_81 : i1 to i32
    %cond3A_178 = arith.constant 0 : i32
    %cond3A_179 = arith.cmpi ne, %convert_element_type3A_177, %cond3A_178 : i32
    scf.if %cond3A_179 {
      %dma_start3A = arith.constant 0 : i32
      %dma_start3A_205 = arith.constant 0 : i32
      %dma_start3A_206 = tpu.memref_slice %arg8[%dma_start3A, %dma_start3A_205] : memref<256x128xf32, #tpu.memory_space<vmem>> -> memref<128x128xf32, #tpu.memory_space<vmem>>
      %dma_start3A_207 = arith.constant 2816 : i32
      %dma_start3A_208 = tpu.memref_slice %arg5[%dma_start3A_207] : memref<3328xi32, #tpu.memory_space<vmem>> -> memref<128xi32, #tpu.memory_space<vmem>>
      %dma_start3A_209 = arith.constant 0 : i32
      %dma_start3A_210 = arith.constant 0 : i32
      %dma_start3A_211 = tpu.memref_slice %arg6[%dma_start3A_209, %dma_start3A_210] : memref<128x128xf32, #tpu.memory_space<vmem_shared>> -> memref<128x128xf32, #tpu.memory_space<vmem_shared>>
      tpu.enqueue_indirect_dma source(%dma_start3A_211 : memref<128x128xf32, #tpu.memory_space<vmem_shared>>) target(%dma_start3A_206 : memref<128x128xf32, #tpu.memory_space<vmem>>) offsets(%dma_start3A_208 : memref<128xi32, #tpu.memory_space<vmem>>) semaphore(%arg11 : memref<!tpu.dma_semaphore, #tpu.memory_space<semaphore_mem>>)
      %dma_start3A_212 = arith.constant 128 : i32
      %dma_start3A_213 = arith.constant 0 : i32
      %dma_start3A_214 = tpu.memref_slice %arg8[%dma_start3A_212, %dma_start3A_213] : memref<256x128xf32, #tpu.memory_space<vmem>> -> memref<128x128xf32, #tpu.memory_space<vmem>>
      %dma_start3A_215 = arith.constant 2944 : i32
      %dma_start3A_216 = tpu.memref_slice %arg5[%dma_start3A_215] : memref<3328xi32, #tpu.memory_space<vmem>> -> memref<128xi32, #tpu.memory_space<vmem>>
      %dma_start3A_217 = arith.constant 0 : i32
      %dma_start3A_218 = arith.constant 0 : i32
      %dma_start3A_219 = tpu.memref_slice %arg6[%dma_start3A_217, %dma_start3A_218] : memref<128x128xf32, #tpu.memory_space<vmem_shared>> -> memref<128x128xf32, #tpu.memory_space<vmem_shared>>
      tpu.enqueue_indirect_dma source(%dma_start3A_219 : memref<128x128xf32, #tpu.memory_space<vmem_shared>>) target(%dma_start3A_214 : memref<128x128xf32, #tpu.memory_space<vmem>>) offsets(%dma_start3A_216 : memref<128xi32, #tpu.memory_space<vmem>>) semaphore(%arg11 : memref<!tpu.dma_semaphore, #tpu.memory_space<semaphore_mem>>)
    } else {
    }
    %convert_element_type3A_180 = arith.extui %le3A_77 : i1 to i32
    %cond3A_181 = arith.constant 0 : i32
    %cond3A_182 = arith.cmpi ne, %convert_element_type3A_180, %cond3A_181 : i32
    scf.if %cond3A_182 {
      %dma_wait3A = arith.constant 0 : i32
      %dma_wait3A_205 = arith.constant 0 : i32
      %dma_wait3A_206 = tpu.memref_slice %arg7[%dma_wait3A, %dma_wait3A_205] : memref<256x128xf32, #tpu.memory_space<vmem>> -> memref<128x128xf32, #tpu.memory_space<vmem>>
      %dma_wait3A_207 = arith.constant 2560 : i32
      %dma_wait3A_208 = tpu.memref_slice %arg5[%dma_wait3A_207] : memref<3328xi32, #tpu.memory_space<vmem>> -> memref<128xi32, #tpu.memory_space<vmem>>
      %dma_wait3A_209 = arith.constant 0 : i32
      %dma_wait3A_210 = arith.constant 0 : i32
      %dma_wait3A_211 = tpu.memref_slice %arg6[%dma_wait3A_209, %dma_wait3A_210] : memref<128x128xf32, #tpu.memory_space<vmem_shared>> -> memref<128x128xf32, #tpu.memory_space<vmem_shared>>
      tpu.wait_indirect_dma semaphore(%arg10 : memref<!tpu.dma_semaphore, #tpu.memory_space<semaphore_mem>>) src(%dma_wait3A_211 : memref<128x128xf32, #tpu.memory_space<vmem_shared>>) dst(%dma_wait3A_206 : memref<128x128xf32, #tpu.memory_space<vmem>>)
      %dma_wait3A_212 = arith.constant 128 : i32
      %dma_wait3A_213 = arith.constant 0 : i32
      %dma_wait3A_214 = tpu.memref_slice %arg7[%dma_wait3A_212, %dma_wait3A_213] : memref<256x128xf32, #tpu.memory_space<vmem>> -> memref<128x128xf32, #tpu.memory_space<vmem>>
      %dma_wait3A_215 = arith.constant 2688 : i32
      %dma_wait3A_216 = tpu.memref_slice %arg5[%dma_wait3A_215] : memref<3328xi32, #tpu.memory_space<vmem>> -> memref<128xi32, #tpu.memory_space<vmem>>
      %dma_wait3A_217 = arith.constant 0 : i32
      %dma_wait3A_218 = arith.constant 0 : i32
      %dma_wait3A_219 = tpu.memref_slice %arg6[%dma_wait3A_217, %dma_wait3A_218] : memref<128x128xf32, #tpu.memory_space<vmem_shared>> -> memref<128x128xf32, #tpu.memory_space<vmem_shared>>
      tpu.wait_indirect_dma semaphore(%arg10 : memref<!tpu.dma_semaphore, #tpu.memory_space<semaphore_mem>>) src(%dma_wait3A_219 : memref<128x128xf32, #tpu.memory_space<vmem_shared>>) dst(%dma_wait3A_214 : memref<128x128xf32, #tpu.memory_space<vmem>>)
      %dma_start3A = arith.constant 0 : i32
      %dma_start3A_220 = tpu.memref_slice %arg4[%add3A_30, %dma_start3A] : memref<100000x128xf32, #tpu.memory_space<hbm>> -> memref<256x128xf32, #tpu.memory_space<hbm>>
      %dma_start3A_221 = arith.constant 0 : i32
      %dma_start3A_222 = tpu.memref_slice %arg4[%add3A_30, %dma_start3A_221] : memref<100000x128xf32, #tpu.memory_space<hbm>> -> memref<256x128xf32, #tpu.memory_space<hbm>>
      tpu.enqueue_dma source(%arg7 : memref<256x128xf32, #tpu.memory_space<vmem>>) target(%dma_start3A_222 : memref<256x128xf32, #tpu.memory_space<hbm>>) target_semaphore(%arg12 : memref<!tpu.dma_semaphore, #tpu.memory_space<semaphore_mem>>)
    } else {
    }
    %convert_element_type3A_183 = arith.extui %le3A_77 : i1 to i32
    %cond3A_184 = arith.constant 0 : i32
    %cond3A_185 = arith.cmpi ne, %convert_element_type3A_183, %cond3A_184 : i32
    scf.if %cond3A_185 {
      %dma_wait3A = arith.constant 0 : i32
      %dma_wait3A_205 = tpu.memref_slice %arg4[%add3A_30, %dma_wait3A] : memref<100000x128xf32, #tpu.memory_space<hbm>> -> memref<256x128xf32, #tpu.memory_space<hbm>>
      %dma_wait3A_206 = arith.constant 0 : i32
      %dma_wait3A_207 = tpu.memref_slice %arg4[%add3A_30, %dma_wait3A_206] : memref<100000x128xf32, #tpu.memory_space<hbm>> -> memref<256x128xf32, #tpu.memory_space<hbm>>
      tpu.wait_dma2 semaphore(%arg12 : memref<!tpu.dma_semaphore, #tpu.memory_space<semaphore_mem>>) src(%arg7 : memref<256x128xf32, #tpu.memory_space<vmem>>) dst(%dma_wait3A_207 : memref<256x128xf32, #tpu.memory_space<hbm>>)
    } else {
    }
    %convert_element_type3A_186 = arith.extui %and3A : i1 to i32
    %cond3A_187 = arith.constant 0 : i32
    %cond3A_188 = arith.cmpi ne, %convert_element_type3A_186, %cond3A_187 : i32
    scf.if %cond3A_188 {
      %dma_start3A = arith.constant 0 : i32
      %dma_start3A_205 = arith.constant 0 : i32
      %dma_start3A_206 = tpu.memref_slice %arg7[%dma_start3A, %dma_start3A_205] : memref<256x128xf32, #tpu.memory_space<vmem>> -> memref<128x128xf32, #tpu.memory_space<vmem>>
      %dma_start3A_207 = arith.constant 3072 : i32
      %dma_start3A_208 = tpu.memref_slice %arg5[%dma_start3A_207] : memref<3328xi32, #tpu.memory_space<vmem>> -> memref<128xi32, #tpu.memory_space<vmem>>
      %dma_start3A_209 = arith.constant 0 : i32
      %dma_start3A_210 = arith.constant 0 : i32
      %dma_start3A_211 = tpu.memref_slice %arg6[%dma_start3A_209, %dma_start3A_210] : memref<128x128xf32, #tpu.memory_space<vmem_shared>> -> memref<128x128xf32, #tpu.memory_space<vmem_shared>>
      tpu.enqueue_indirect_dma source(%dma_start3A_211 : memref<128x128xf32, #tpu.memory_space<vmem_shared>>) target(%dma_start3A_206 : memref<128x128xf32, #tpu.memory_space<vmem>>) offsets(%dma_start3A_208 : memref<128xi32, #tpu.memory_space<vmem>>) semaphore(%arg10 : memref<!tpu.dma_semaphore, #tpu.memory_space<semaphore_mem>>)
      %dma_start3A_212 = arith.constant 128 : i32
      %dma_start3A_213 = arith.constant 0 : i32
      %dma_start3A_214 = tpu.memref_slice %arg7[%dma_start3A_212, %dma_start3A_213] : memref<256x128xf32, #tpu.memory_space<vmem>> -> memref<128x128xf32, #tpu.memory_space<vmem>>
      %dma_start3A_215 = arith.constant 3200 : i32
      %dma_start3A_216 = tpu.memref_slice %arg5[%dma_start3A_215] : memref<3328xi32, #tpu.memory_space<vmem>> -> memref<128xi32, #tpu.memory_space<vmem>>
      %dma_start3A_217 = arith.constant 0 : i32
      %dma_start3A_218 = arith.constant 0 : i32
      %dma_start3A_219 = tpu.memref_slice %arg6[%dma_start3A_217, %dma_start3A_218] : memref<128x128xf32, #tpu.memory_space<vmem_shared>> -> memref<128x128xf32, #tpu.memory_space<vmem_shared>>
      tpu.enqueue_indirect_dma source(%dma_start3A_219 : memref<128x128xf32, #tpu.memory_space<vmem_shared>>) target(%dma_start3A_214 : memref<128x128xf32, #tpu.memory_space<vmem>>) offsets(%dma_start3A_216 : memref<128xi32, #tpu.memory_space<vmem>>) semaphore(%arg10 : memref<!tpu.dma_semaphore, #tpu.memory_space<semaphore_mem>>)
    } else {
    }
    %convert_element_type3A_189 = arith.extui %le3A_81 : i1 to i32
    %cond3A_190 = arith.constant 0 : i32
    %cond3A_191 = arith.cmpi ne, %convert_element_type3A_189, %cond3A_190 : i32
    scf.if %cond3A_191 {
      %dma_wait3A = arith.constant 0 : i32
      %dma_wait3A_205 = arith.constant 0 : i32
      %dma_wait3A_206 = tpu.memref_slice %arg8[%dma_wait3A, %dma_wait3A_205] : memref<256x128xf32, #tpu.memory_space<vmem>> -> memref<128x128xf32, #tpu.memory_space<vmem>>
      %dma_wait3A_207 = arith.constant 2816 : i32
      %dma_wait3A_208 = tpu.memref_slice %arg5[%dma_wait3A_207] : memref<3328xi32, #tpu.memory_space<vmem>> -> memref<128xi32, #tpu.memory_space<vmem>>
      %dma_wait3A_209 = arith.constant 0 : i32
      %dma_wait3A_210 = arith.constant 0 : i32
      %dma_wait3A_211 = tpu.memref_slice %arg6[%dma_wait3A_209, %dma_wait3A_210] : memref<128x128xf32, #tpu.memory_space<vmem_shared>> -> memref<128x128xf32, #tpu.memory_space<vmem_shared>>
      tpu.wait_indirect_dma semaphore(%arg11 : memref<!tpu.dma_semaphore, #tpu.memory_space<semaphore_mem>>) src(%dma_wait3A_211 : memref<128x128xf32, #tpu.memory_space<vmem_shared>>) dst(%dma_wait3A_206 : memref<128x128xf32, #tpu.memory_space<vmem>>)
      %dma_wait3A_212 = arith.constant 128 : i32
      %dma_wait3A_213 = arith.constant 0 : i32
      %dma_wait3A_214 = tpu.memref_slice %arg8[%dma_wait3A_212, %dma_wait3A_213] : memref<256x128xf32, #tpu.memory_space<vmem>> -> memref<128x128xf32, #tpu.memory_space<vmem>>
      %dma_wait3A_215 = arith.constant 2944 : i32
      %dma_wait3A_216 = tpu.memref_slice %arg5[%dma_wait3A_215] : memref<3328xi32, #tpu.memory_space<vmem>> -> memref<128xi32, #tpu.memory_space<vmem>>
      %dma_wait3A_217 = arith.constant 0 : i32
      %dma_wait3A_218 = arith.constant 0 : i32
      %dma_wait3A_219 = tpu.memref_slice %arg6[%dma_wait3A_217, %dma_wait3A_218] : memref<128x128xf32, #tpu.memory_space<vmem_shared>> -> memref<128x128xf32, #tpu.memory_space<vmem_shared>>
      tpu.wait_indirect_dma semaphore(%arg11 : memref<!tpu.dma_semaphore, #tpu.memory_space<semaphore_mem>>) src(%dma_wait3A_219 : memref<128x128xf32, #tpu.memory_space<vmem_shared>>) dst(%dma_wait3A_214 : memref<128x128xf32, #tpu.memory_space<vmem>>)
      %dma_start3A = arith.constant 0 : i32
      %dma_start3A_220 = tpu.memref_slice %arg4[%add3A_32, %dma_start3A] : memref<100000x128xf32, #tpu.memory_space<hbm>> -> memref<256x128xf32, #tpu.memory_space<hbm>>
      %dma_start3A_221 = arith.constant 0 : i32
      %dma_start3A_222 = tpu.memref_slice %arg4[%add3A_32, %dma_start3A_221] : memref<100000x128xf32, #tpu.memory_space<hbm>> -> memref<256x128xf32, #tpu.memory_space<hbm>>
      tpu.enqueue_dma source(%arg8 : memref<256x128xf32, #tpu.memory_space<vmem>>) target(%dma_start3A_222 : memref<256x128xf32, #tpu.memory_space<hbm>>) target_semaphore(%arg13 : memref<!tpu.dma_semaphore, #tpu.memory_space<semaphore_mem>>)
    } else {
    }
    %convert_element_type3A_192 = arith.extui %and3A : i1 to i32
    %cond3A_193 = arith.constant 0 : i32
    %cond3A_194 = arith.cmpi ne, %convert_element_type3A_192, %cond3A_193 : i32
    scf.if %cond3A_194 {
      %dma_wait3A = arith.constant 0 : i32
      %dma_wait3A_205 = arith.constant 0 : i32
      %dma_wait3A_206 = tpu.memref_slice %arg7[%dma_wait3A, %dma_wait3A_205] : memref<256x128xf32, #tpu.memory_space<vmem>> -> memref<128x128xf32, #tpu.memory_space<vmem>>
      %dma_wait3A_207 = arith.constant 3072 : i32
      %dma_wait3A_208 = tpu.memref_slice %arg5[%dma_wait3A_207] : memref<3328xi32, #tpu.memory_space<vmem>> -> memref<128xi32, #tpu.memory_space<vmem>>
      %dma_wait3A_209 = arith.constant 0 : i32
      %dma_wait3A_210 = arith.constant 0 : i32
      %dma_wait3A_211 = tpu.memref_slice %arg6[%dma_wait3A_209, %dma_wait3A_210] : memref<128x128xf32, #tpu.memory_space<vmem_shared>> -> memref<128x128xf32, #tpu.memory_space<vmem_shared>>
      tpu.wait_indirect_dma semaphore(%arg10 : memref<!tpu.dma_semaphore, #tpu.memory_space<semaphore_mem>>) src(%dma_wait3A_211 : memref<128x128xf32, #tpu.memory_space<vmem_shared>>) dst(%dma_wait3A_206 : memref<128x128xf32, #tpu.memory_space<vmem>>)
      %dma_wait3A_212 = arith.constant 128 : i32
      %dma_wait3A_213 = arith.constant 0 : i32
      %dma_wait3A_214 = tpu.memref_slice %arg7[%dma_wait3A_212, %dma_wait3A_213] : memref<256x128xf32, #tpu.memory_space<vmem>> -> memref<128x128xf32, #tpu.memory_space<vmem>>
      %dma_wait3A_215 = arith.constant 3200 : i32
      %dma_wait3A_216 = tpu.memref_slice %arg5[%dma_wait3A_215] : memref<3328xi32, #tpu.memory_space<vmem>> -> memref<128xi32, #tpu.memory_space<vmem>>
      %dma_wait3A_217 = arith.constant 0 : i32
      %dma_wait3A_218 = arith.constant 0 : i32
      %dma_wait3A_219 = tpu.memref_slice %arg6[%dma_wait3A_217, %dma_wait3A_218] : memref<128x128xf32, #tpu.memory_space<vmem_shared>> -> memref<128x128xf32, #tpu.memory_space<vmem_shared>>
      tpu.wait_indirect_dma semaphore(%arg10 : memref<!tpu.dma_semaphore, #tpu.memory_space<semaphore_mem>>) src(%dma_wait3A_219 : memref<128x128xf32, #tpu.memory_space<vmem_shared>>) dst(%dma_wait3A_214 : memref<128x128xf32, #tpu.memory_space<vmem>>)
      %dma_start3A = arith.constant 0 : i32
      %dma_start3A_220 = tpu.memref_slice %arg4[%add3A_34, %dma_start3A] : memref<100000x128xf32, #tpu.memory_space<hbm>> -> memref<256x128xf32, #tpu.memory_space<hbm>>
      %dma_start3A_221 = arith.constant 0 : i32
      %dma_start3A_222 = tpu.memref_slice %arg4[%add3A_34, %dma_start3A_221] : memref<100000x128xf32, #tpu.memory_space<hbm>> -> memref<256x128xf32, #tpu.memory_space<hbm>>
      tpu.enqueue_dma source(%arg7 : memref<256x128xf32, #tpu.memory_space<vmem>>) target(%dma_start3A_222 : memref<256x128xf32, #tpu.memory_space<hbm>>) target_semaphore(%arg12 : memref<!tpu.dma_semaphore, #tpu.memory_space<semaphore_mem>>)
    } else {
    }
    %eq3A = arith.constant 31 : i32
    %eq3A_195 = arith.cmpi eq, %add3A, %eq3A : i32
    %convert_element_type3A_196 = arith.extui %eq3A_195 : i1 to i32
    %cond3A_197 = arith.constant 0 : i32
    %cond3A_198 = arith.cmpi ne, %convert_element_type3A_196, %cond3A_197 : i32
    scf.if %cond3A_198 {
      %dma_start3A = arith.constant 0 : i32
      %dma_start3A_205 = arith.constant 0 : i32
      %dma_start3A_206 = tpu.memref_slice %arg9[%dma_start3A, %dma_start3A_205] : memref<160x128xf32, #tpu.memory_space<vmem>> -> memref<128x128xf32, #tpu.memory_space<vmem>>
      %dma_start3A_207 = arith.constant 3072 : i32
      %dma_start3A_208 = tpu.memref_slice %arg5[%dma_start3A_207] : memref<3328xi32, #tpu.memory_space<vmem>> -> memref<128xi32, #tpu.memory_space<vmem>>
      %dma_start3A_209 = arith.constant 0 : i32
      %dma_start3A_210 = arith.constant 0 : i32
      %dma_start3A_211 = tpu.memref_slice %arg6[%dma_start3A_209, %dma_start3A_210] : memref<128x128xf32, #tpu.memory_space<vmem_shared>> -> memref<128x128xf32, #tpu.memory_space<vmem_shared>>
      tpu.enqueue_indirect_dma source(%dma_start3A_211 : memref<128x128xf32, #tpu.memory_space<vmem_shared>>) target(%dma_start3A_206 : memref<128x128xf32, #tpu.memory_space<vmem>>) offsets(%dma_start3A_208 : memref<128xi32, #tpu.memory_space<vmem>>) semaphore(%arg14 : memref<!tpu.dma_semaphore, #tpu.memory_space<semaphore_mem>>)
      %dma_start3A_212 = arith.constant 128 : i32
      %dma_start3A_213 = arith.constant 0 : i32
      %dma_start3A_214 = tpu.memref_slice %arg9[%dma_start3A_212, %dma_start3A_213] : memref<160x128xf32, #tpu.memory_space<vmem>> -> memref<32x128xf32, #tpu.memory_space<vmem>>
      %dma_start3A_215 = arith.constant 3200 : i32
      %dma_start3A_216 = tpu.memref_slice %arg5[%dma_start3A_215] : memref<3328xi32, #tpu.memory_space<vmem>> -> memref<32xi32, #tpu.memory_space<vmem>>
      %dma_start3A_217 = arith.constant 0 : i32
      %dma_start3A_218 = arith.constant 0 : i32
      %dma_start3A_219 = tpu.memref_slice %arg6[%dma_start3A_217, %dma_start3A_218] : memref<128x128xf32, #tpu.memory_space<vmem_shared>> -> memref<128x128xf32, #tpu.memory_space<vmem_shared>>
      tpu.enqueue_indirect_dma source(%dma_start3A_219 : memref<128x128xf32, #tpu.memory_space<vmem_shared>>) target(%dma_start3A_214 : memref<32x128xf32, #tpu.memory_space<vmem>>) offsets(%dma_start3A_216 : memref<32xi32, #tpu.memory_space<vmem>>) semaphore(%arg14 : memref<!tpu.dma_semaphore, #tpu.memory_space<semaphore_mem>>)
      %dma_wait3A = arith.constant 0 : i32
      %dma_wait3A_220 = arith.constant 0 : i32
      %dma_wait3A_221 = tpu.memref_slice %arg9[%dma_wait3A, %dma_wait3A_220] : memref<160x128xf32, #tpu.memory_space<vmem>> -> memref<128x128xf32, #tpu.memory_space<vmem>>
      %dma_wait3A_222 = arith.constant 3072 : i32
      %dma_wait3A_223 = tpu.memref_slice %arg5[%dma_wait3A_222] : memref<3328xi32, #tpu.memory_space<vmem>> -> memref<128xi32, #tpu.memory_space<vmem>>
      %dma_wait3A_224 = arith.constant 0 : i32
      %dma_wait3A_225 = arith.constant 0 : i32
      %dma_wait3A_226 = tpu.memref_slice %arg6[%dma_wait3A_224, %dma_wait3A_225] : memref<128x128xf32, #tpu.memory_space<vmem_shared>> -> memref<128x128xf32, #tpu.memory_space<vmem_shared>>
      tpu.wait_indirect_dma semaphore(%arg14 : memref<!tpu.dma_semaphore, #tpu.memory_space<semaphore_mem>>) src(%dma_wait3A_226 : memref<128x128xf32, #tpu.memory_space<vmem_shared>>) dst(%dma_wait3A_221 : memref<128x128xf32, #tpu.memory_space<vmem>>)
      %dma_wait3A_227 = arith.constant 128 : i32
      %dma_wait3A_228 = arith.constant 0 : i32
      %dma_wait3A_229 = tpu.memref_slice %arg9[%dma_wait3A_227, %dma_wait3A_228] : memref<160x128xf32, #tpu.memory_space<vmem>> -> memref<32x128xf32, #tpu.memory_space<vmem>>
      %dma_wait3A_230 = arith.constant 3200 : i32
      %dma_wait3A_231 = tpu.memref_slice %arg5[%dma_wait3A_230] : memref<3328xi32, #tpu.memory_space<vmem>> -> memref<32xi32, #tpu.memory_space<vmem>>
      %dma_wait3A_232 = arith.constant 0 : i32
      %dma_wait3A_233 = arith.constant 0 : i32
      %dma_wait3A_234 = tpu.memref_slice %arg6[%dma_wait3A_232, %dma_wait3A_233] : memref<128x128xf32, #tpu.memory_space<vmem_shared>> -> memref<128x128xf32, #tpu.memory_space<vmem_shared>>
      tpu.wait_indirect_dma semaphore(%arg14 : memref<!tpu.dma_semaphore, #tpu.memory_space<semaphore_mem>>) src(%dma_wait3A_234 : memref<128x128xf32, #tpu.memory_space<vmem_shared>>) dst(%dma_wait3A_229 : memref<32x128xf32, #tpu.memory_space<vmem>>)
      "tpu.region"() ({
        %run_scoped3A = tpu.sem_alloc : memref<!tpu.dma_semaphore, #tpu.memory_space<semaphore_mem>>
        %dma_start3A_235 = arith.constant 99840 : i32
        %dma_start3A_236 = arith.constant 0 : i32
        %dma_start3A_237 = tpu.memref_slice %arg4[%dma_start3A_235, %dma_start3A_236] : memref<100000x128xf32, #tpu.memory_space<hbm>> -> memref<160x128xf32, #tpu.memory_space<hbm>>
        %dma_start3A_238 = arith.constant 99840 : i32
        %dma_start3A_239 = arith.constant 0 : i32
        %dma_start3A_240 = tpu.memref_slice %arg4[%dma_start3A_238, %dma_start3A_239] : memref<100000x128xf32, #tpu.memory_space<hbm>> -> memref<160x128xf32, #tpu.memory_space<hbm>>
        tpu.enqueue_dma source(%arg9 : memref<160x128xf32, #tpu.memory_space<vmem>>) target(%dma_start3A_240 : memref<160x128xf32, #tpu.memory_space<hbm>>) target_semaphore(%run_scoped3A : memref<!tpu.dma_semaphore, #tpu.memory_space<semaphore_mem>>)
        %dma_wait3A_241 = arith.constant 99840 : i32
        %dma_wait3A_242 = arith.constant 0 : i32
        %dma_wait3A_243 = tpu.memref_slice %arg4[%dma_wait3A_241, %dma_wait3A_242] : memref<100000x128xf32, #tpu.memory_space<hbm>> -> memref<160x128xf32, #tpu.memory_space<hbm>>
        %dma_wait3A_244 = arith.constant 99840 : i32
        %dma_wait3A_245 = arith.constant 0 : i32
        %dma_wait3A_246 = tpu.memref_slice %arg4[%dma_wait3A_244, %dma_wait3A_245] : memref<100000x128xf32, #tpu.memory_space<hbm>> -> memref<160x128xf32, #tpu.memory_space<hbm>>
        tpu.wait_dma2 semaphore(%run_scoped3A : memref<!tpu.dma_semaphore, #tpu.memory_space<semaphore_mem>>) src(%arg9 : memref<160x128xf32, #tpu.memory_space<vmem>>) dst(%dma_wait3A_246 : memref<160x128xf32, #tpu.memory_space<hbm>>)
        tpu.yield
      }) : () -> ()
    } else {
    }
    %convert_element_type3A_199 = arith.extui %le3A_81 : i1 to i32
    %cond3A_200 = arith.constant 0 : i32
    %cond3A_201 = arith.cmpi ne, %convert_element_type3A_199, %cond3A_200 : i32
    scf.if %cond3A_201 {
      %dma_wait3A = arith.constant 0 : i32
      %dma_wait3A_205 = tpu.memref_slice %arg4[%add3A_32, %dma_wait3A] : memref<100000x128xf32, #tpu.memory_space<hbm>> -> memref<256x128xf32, #tpu.memory_space<hbm>>
      %dma_wait3A_206 = arith.constant 0 : i32
      %dma_wait3A_207 = tpu.memref_slice %arg4[%add3A_32, %dma_wait3A_206] : memref<100000x128xf32, #tpu.memory_space<hbm>> -> memref<256x128xf32, #tpu.memory_space<hbm>>
      tpu.wait_dma2 semaphore(%arg13 : memref<!tpu.dma_semaphore, #tpu.memory_space<semaphore_mem>>) src(%arg8 : memref<256x128xf32, #tpu.memory_space<vmem>>) dst(%dma_wait3A_207 : memref<256x128xf32, #tpu.memory_space<hbm>>)
    } else {
    }
    %convert_element_type3A_202 = arith.extui %and3A : i1 to i32
    %cond3A_203 = arith.constant 0 : i32
    %cond3A_204 = arith.cmpi ne, %convert_element_type3A_202, %cond3A_203 : i32
    scf.if %cond3A_204 {
      %dma_wait3A = arith.constant 0 : i32
      %dma_wait3A_205 = tpu.memref_slice %arg4[%add3A_34, %dma_wait3A] : memref<100000x128xf32, #tpu.memory_space<hbm>> -> memref<256x128xf32, #tpu.memory_space<hbm>>
      %dma_wait3A_206 = arith.constant 0 : i32
      %dma_wait3A_207 = tpu.memref_slice %arg4[%add3A_34, %dma_wait3A_206] : memref<100000x128xf32, #tpu.memory_space<hbm>> -> memref<256x128xf32, #tpu.memory_space<hbm>>
      tpu.wait_dma2 semaphore(%arg12 : memref<!tpu.dma_semaphore, #tpu.memory_space<semaphore_mem>>) src(%arg7 : memref<256x128xf32, #tpu.memory_space<vmem>>) dst(%dma_wait3A_207 : memref<256x128xf32, #tpu.memory_space<hbm>>)
    } else {
    }
    return
  }
}

module attributes {stable_mosaic.version = 14 : i64} {
  func.func @_pad_body(%arg0: i32, %arg1: memref<1024x128xf32, #tpu.memory_space<vmem>>, %arg2: memref<480x1024xf32, #tpu.memory_space<vmem>>) attributes {dimension_semantics = [#tpu.dimension_semantics<arbitrary>], iteration_bounds = array<i64: 98>, scalar_prefetch = 0 : i64, scratch_operands = 0 : i64, tpu.core_type = #tpu.core_type<tc>, window_params = [{transform_indices = @transform_0, window_bounds = array<i64: 1024, 128>}, {transform_indices = @transform_1, window_bounds = array<i64: 480, 1024>}]} {
    %get3A = arith.constant 0 : index
    %get3A_0 = arith.constant 0 : index
    %get3A_1 = vector.load %arg1[%get3A, %get3A_0] : memref<1024x128xf32, #tpu.memory_space<vmem>>, vector<1024x128xf32>
    %transpose3A = tpu.transpose %get3A_1, [1, 0] : vector<1024x128xf32> -> vector<128x1024xf32>
    %broadcast_in_dim3A = arith.constant 0.000000e+00 : f32
    %broadcast_in_dim3A_2 = vector.broadcast %broadcast_in_dim3A : f32 to vector<352x1024xf32>
    %concatenate3A = tpu.concatenate %transpose3A, %broadcast_in_dim3A_2 in 0 : vector<128x1024xf32>, vector<352x1024xf32> -> vector<480x1024xf32>
    %swap3A = arith.constant 0 : index
    %swap3A_3 = arith.constant 0 : index
    %swap3A_4 = vector.load %arg2[%swap3A, %swap3A_3] : memref<480x1024xf32, #tpu.memory_space<vmem>>, vector<480x1024xf32>
    tpu.vector_store %arg2[%swap3A, %swap3A_3], %concatenate3A {strides = array<i32>} : memref<480x1024xf32, #tpu.memory_space<vmem>>, vector<480x1024xf32>,
    return
  }
  func.func @transform_0(%arg0: i32) -> (i32, i32) {
    %c0_i32 = arith.constant 0 : i32
    %c0_i32_0 = arith.constant 0 : i32
    return %arg0, %c0_i32 : i32, i32
  }
  func.func @transform_1(%arg0: i32) -> (i32, i32) {
    %c0_i32 = arith.constant 0 : i32
    %c0_i32_0 = arith.constant 0 : i32
    return %c0_i32, %arg0 : i32, i32
  }
}

module attributes {stable_mosaic.version = 14 : i64} {
  func.func @_fuse_body(%arg0: memref<128x128xf32, #tpu.memory_space<vmem>>, %arg1: memref<128x128xf32, #tpu.memory_space<vmem>>, %arg2: memref<128x128xf32, #tpu.memory_space<vmem>>) attributes {dimension_semantics = [], scalar_prefetch = 0 : i64, scratch_operands = 0 : i64, tpu.core_type = #tpu.core_type<tc>} {
    %sqrt3A = arith.constant 1.280000e+02 : f32
    %sqrt3A_0 = math.sqrt %sqrt3A : f32
    %div3A = arith.constant 1.000000e+00 : f32
    %div3A_1 = arith.divf %div3A, %sqrt3A_0 : f32
    %get3A = arith.constant 0 : index
    %get3A_2 = arith.constant 0 : index
    %get3A_3 = vector.load %arg0[%get3A, %get3A_2] : memref<128x128xf32, #tpu.memory_space<vmem>>, vector<128x128xf32>
    %get3A_4 = arith.constant 0 : index
    %get3A_5 = arith.constant 0 : index
    %get3A_6 = vector.load %arg1[%get3A_4, %get3A_5] : memref<128x128xf32, #tpu.memory_space<vmem>>, vector<128x128xf32>
    %dot_general3A = arith.constant dense<0.000000e+00> : vector<128x128xf32>
    %dot_general3A_7 = tpu.matmul %get3A_3, %get3A_6, %dot_general3A {dimension_numbers = #tpu.dot_dimension_numbers<[1], [0], [0], [1], [0, 0, 1, 1], [], []>, transpose_lhs_hint = false} : vector<128x128xf32>, vector<128x128xf32>, vector<128x128xf32> -> vector<128x128xf32>
    %mul3A = vector.broadcast %div3A_1 : f32 to vector<128x128xf32>
    %mul3A_8 = arith.mulf %dot_general3A_7, %mul3A : vector<128x128xf32>
    %swap3A = arith.constant 0 : index
    %swap3A_9 = arith.constant 0 : index
    %swap3A_10 = vector.load %arg2[%swap3A, %swap3A_9] : memref<128x128xf32, #tpu.memory_space<vmem>>, vector<128x128xf32>
    tpu.vector_store %arg2[%swap3A, %swap3A_9], %mul3A_8 {strides = array<i32>} : memref<128x128xf32, #tpu.memory_space<vmem>>, vector<128x128xf32>,
    return
  }
}

</mosaic_0001>

<sc_bundles>
// kernel: kernel.5.cloned.1.call-start
scs
__scs_entry_jumppad:
0x0: {  	(pc) =	sbr.rel $0x88, $3  }
0x1: {  	(tag) =	ssettag $0x0;
	lr =	simm.s32 $0x1  }
0x2: {  	[smem:$0x3F9E] =	sst lr;
	_ =	strace $0xD0000000  }
0x3: {  	_ = 	snop  }
0x4: {  	_ = 	snop  }
0x5: {  	_ = 	snop  }
0x6: {  	_ = 	snop  }
0x7: {  	_ = 	snop  }
__scs_overlays_trampoline_lowered:
0x8: {  	[smem:$0x3FAD] =	sst s0  }
0x9: {  	[smem:$0x3FAE] =	sst s1  }
0xa: {  	[smem:$0x3FAF] =	sst s2  }
0xb: {  	[smem:$0x3FB0] =	sst s3  }
0xc: {  	[smem:$0x3FB1] =	sst s4  }
0xd: {  	[smem:$0x3FB2] =	sst s5  }
0xe: {  	[smem:$0x3FB3] =	sst s6  }
0xf: {  	[smem:$0x3FB4] =	sst s7  }
0x10: {  	[smem:$0x3FB5] =	sst s8  }
0x11: {  	[smem:$0x3FB6] =	sst s9;
	s0 =	simm.s32 @!p0 $0x0  }
0x12: {  	s1 =	sld [smem:$0x3F9C];
	s0 =	simm.s32 @p0 $0x1  }
0x13: {  	[smem:$0x3FB7] =	sst s0;
	s0 =	simm.s32 @!p1 $0x0  }
0x14: {  	s2 =	sld [smem:$0x3F9B];
	s0 =	simm.s32 @p1 $0x1  }
0x15: {  	[smem:$0x3FB8] =	sst s0;
	s0 =	simm.s32 @!p2 $0x0  }
0x16: {  	s3 =	sld [smem:$0x3FDB];
	s0 =	simm.s32 @p2 $0x1  }
0x17: {  	s4 =	simm.s32 $0x1BF5;
	[smem:$0x3FBA] =	sst s0  }
0x18: {  	s0 =	sld [smem:$0x3F9D];
	_ =	swait.ge [sflag:s4], $0x0  }
0x19: {  	s7 =	sld [smem:$0x3F9E]  }
0x1a: {  	s8 =	sadd.s32 $0xFFFFE003, lr  }
0x1b: {  	s9 =	sadd.s32 $0xFFFFFEF7, lr;
	s5 =	simm.s32 $0xFFFFFFFF;
	p2 =	slt.u32 s8, $0xFFFFF086  }
0x1c: {  	p1 =	slt.u32 s9, $0xF7A;
	s5 =	simm.s32 @!p2 $0x0  }
0x1d: {  	s5 =	simm.s32 @p1 $0x1;
	p0 =	seq.s32 s7, s2  }
0x1e: {  	s7 =	smul.u32 @!p0 $0xF7A, s2;
	p2 =	seq.s32 @!p0 s5, $0x0  }
0x1f: {  	s9 =	smul.u32 $0xF7A, s1;
	s8 =	simm.s32 @!p0 $0x1BF5;
	p2 =	por !p2, p0  }
0x20: {  	[sflag:s8] =	ssyncset.s32 @!p0 $0xFFFFF086;
	s6 =	sadd.s32 @!p0 s3, s7;
	s7 =	simm.s32 @!p0 $0x108  }
0x21: {  	s3 =	sadd.s32 s3, s9;
	s6 =	sadd.s32 @!p0 $0x88, s6;
	s7 =	simm.s32 @p2 $0x1082  }
0x22: {  	[simem:s7], [sflag:s8] =	dma.local @!p0 [hbm:s6], $0xF7A  }
0x23: {  	s9 =	sor.u32 $0xD0000000, s2;
	s6 =	simm.s32 $0x108;
	_ =	swait.ge @!p0 [sflag:s8], $0x0  }
0x24: {  	s3 =	sadd.s32 $0x88, s3;
	s6 =	simm.s32 @!p1 $0x1082;
	[sflag:s4] =	ssyncset.s32 $0xFFFFF086  }
0x25: {  	[simem:s6], [sflag:s4] =	dma.local [hbm:s3], $0xF7A  }
0x26: {  	[smem:$0x3F9E] =	sst s1;
	(tag) =	ssettag s2;
	_ =	strace s9  }
0x27: {  	s1 =	sld [smem:$0x3FAE]  }
0x28: {  	s2 =	sld [smem:$0x3FAF]  }
0x29: {  	s4 =	sld [smem:$0x3FB1]  }
0x2a: {  	p0 =	seq.s32 s5, $0x0;
	s5 =	sld [smem:$0x3FB2]  }
0x2b: {  	s6 =	sld [smem:$0x3FB3]  }
0x2c: {  	s7 =	sld [smem:$0x3FB4]  }
0x2d: {  	s3 =	simm.s32 $0x108;
	s8 =	sld [smem:$0x3FB5]  }
0x2e: {  	s3 =	simm.s32 @!p0 $0x1082;
	s9 =	sld [smem:$0x3FB6]  }
0x2f: {  	lr =	sadd.s32 s0, s3;
	s0 =	sld [smem:$0x3FAD]  }
0x30: {  	s3 =	sld [smem:$0x3FB0]  }
0x31: {  	[smem:$0x3FB9] =	sst s10  }
0x32: {  	s10 =	sld [smem:$0x3FB7];
	_ =	sdelay $0x3  }
0x33: {  	p0 =	seq.s32 s10, $0x1;
	s10 =	sld [smem:$0x3FB9];
	_ =	sdelay $0x3  }
0x34: {  	[smem:$0x3FB9] =	sst s10  }
0x35: {  	s10 =	sld [smem:$0x3FB8];
	_ =	sdelay $0x3  }
0x36: {  	p1 =	seq.s32 s10, $0x1;
	s10 =	sld [smem:$0x3FB9];
	_ =	sdelay $0x3  }
0x37: {  	[smem:$0x3FB9] =	sst s10  }
0x38: {  	s10 =	sld [smem:$0x3FBA]  }
0x39: {  	_ = 	snop;
	(pc) =	sbr.ind lr, $3  }
0x3a: {  	_ = 	snop  }
0x3b: {  	_ = 	snop  }
0x3c: {  	p2 =	seq.s32 s10, $0x1;
	s10 =	sld [smem:$0x3FB9]  }
0x3d: {  	_ =	shalt  }
0x3e: {  	_ =	shalt  }
0x3f: {  	_ =	shalt  }
0x40: {  	_ =	shalt  }
0x41: {  	_ =	shalt  }
0x42: {  	_ =	shalt  }
0x43: {  	_ =	shalt  }
0x44: {  	_ =	shalt  }
0x45: {  	_ =	shalt  }
0x46: {  	_ =	shalt  }
0x47: {  	_ =	shalt  }
0x48: {  	_ =	shalt  }
0x49: {  	_ =	shalt  }
0x4a: {  	_ =	shalt  }
0x4b: {  	_ =	shalt  }
0x4c: {  	_ =	shalt  }
0x4d: {  	_ =	shalt  }
0x4e: {  	_ =	shalt  }
0x4f: {  	_ =	shalt  }
0x50: {  	_ =	shalt  }
0x51: {  	_ =	shalt  }
0x52: {  	_ =	shalt  }
0x53: {  	_ =	shalt  }
0x54: {  	_ =	shalt  }
0x55: {  	_ =	shalt  }
0x56: {  	_ =	shalt  }
0x57: {  	_ =	shalt  }
0x58: {  	_ =	shalt  }
0x59: {  	_ =	shalt  }
0x5a: {  	_ =	shalt  }
0x5b: {  	_ =	shalt  }
0x5c: {  	_ =	shalt  }
0x5d: {  	_ =	shalt  }
0x5e: {  	_ =	shalt  }
0x5f: {  	_ =	shalt  }
0x60: {  	_ =	shalt  }
0x61: {  	_ =	shalt  }
0x62: {  	_ =	shalt  }
0x63: {  	_ =	shalt  }
0x64: {  	_ =	shalt  }
0x65: {  	_ =	shalt  }
0x66: {  	_ =	shalt  }
0x67: {  	_ =	shalt  }
0x68: {  	_ =	shalt  }
0x69: {  	_ =	shalt  }
0x6a: {  	_ =	shalt  }
0x6b: {  	_ =	shalt  }
0x6c: {  	_ =	shalt  }
0x6d: {  	_ =	shalt  }
0x6e: {  	_ =	shalt  }
0x6f: {  	_ =	shalt  }
0x70: {  	_ =	shalt  }
0x71: {  	_ =	shalt  }
0x72: {  	_ =	shalt  }
0x73: {  	_ =	shalt  }
0x74: {  	_ =	shalt  }
0x75: {  	_ =	shalt  }
0x76: {  	_ =	shalt  }
0x77: {  	_ =	shalt  }
0x78: {  	_ =	shalt  }
0x79: {  	_ =	shalt  }
0x7a: {  	_ =	shalt  }
0x7b: {  	_ =	shalt  }
0x7c: {  	_ =	shalt  }
0x7d: {  	_ =	shalt  }
0x7e: {  	_ =	shalt  }
0x7f: {  	_ =	shalt  }
0x80: {  	_ =	shalt  }
0x81: {  	_ =	shalt  }
0x82: {  	_ =	shalt  }
0x83: {  	_ =	shalt  }
0x84: {  	_ =	shalt  }
0x85: {  	_ =	shalt  }
0x86: {  	_ =	shalt  }
0x87: {  	_ =	shalt  }
.Lfunc_end0:
.L_simem_size_0:
called_computation_lowered:
.L_overlay_start_0:
0x88: {  	s2 =	sld [smem:$0x3FD9]  }
0x89: {  	s3 =	sld [smem:$0x3FFE];
	_ =	sdelay $0x1  }
0x8a: {  	s1 =	srdreg.scid  }
0x8b: {  	s0 =	sand.u32 $0x1, s1  }
0x8c: {  	s17 =	sshll.u32 s0, $0xA;
	s2 =	sadd.s32 s3, s2  }
0x8d: {  	s2 =	sadd.s32 s2, s17  }
0x8e: {  	[smem:$0x3FC5] =	sst s2  }
0x8f: {  	_ = 	snop  }
0x90: {  	s2 =	sld [smem:$0x3FD0];
	(tm) =	ssettm $0x1  }
0x91: {  	s18 =	sld [smem:$0x3FFB];
	_ =	sdelay $0x3  }
0x92: {  	_ =	strace s18  }
0x93: {  	s3 =	sld [smem:$0x3FFC];
	_ =	sdelay $0x3  }
0x94: {  	_ =	strace s3  }
0x95: {  	s3 =	sld [smem:$0x3FFD];
	_ =	sdelay $0x3  }
0x96: {  	_ =	strace s3  }
0x97: {  	_ =	strace $0x8FFFFFFF  }
0x98: {  	s19 =	sld [smem:$0x3FDB];
	_ =	sdelay $0x1  }
0x99: {  	s4 =	simm.s32 $_scs_section_size  }
0x9a: {  	s5 =	simm.s32 $_size__tile_overlayer_lowered;
	s6 =	simm.s32 $_tile_overlayer_lowered  }
0x9b: {  	s22 =	simm.s32 $0x1BFF;
	s21 =	sshll.u32 s6, $0x1;
	s3 =	sadd.s32 s4, s19  }
0x9c: {  	s7 =	simm.s32 $0x0;
	s20 =	sshll.u32 s5, $0x1;
	s5 =	sadd.s32 s21, s3  }
0x9d: {  	[timem:s7], [sflag:s22] =	dma.local [hbm:s5], s20  }
0x9e: {  	_ =	swait.ge [sflag:s22], s20  }
0x9f: {  	s4 =	ssub.s32 $0x0, s20;
	[sflag:s22] =	ssyncset.done $0x0  }
0xa0: {  	[sflag:s22] =	ssyncadd.s32 s4;
	_ =	sdelay $0x1  }
0xa1: {  	s23 =	simm.s32 $0x1B8B  }
0xa2: {  	_ =	swait.ge [sflag:s23], $0x1  }
0xa3: {  	[sflag:s23] =	ssyncset.done $0x0  }
0xa4: {  	s25 =	simm.s32 $0x1B8E;
	s24 =	sld [smem:$0x3FFE];
	[sflag:s23] =	ssyncadd.s32 $0xFFFFFFFF  }
0xa5: {  	s26 =	simm.s32 $execute0_lowered;
	[smem:$0x3FD2] =	sst s25  }
0xa6: {  	s5 =	sshll.u32 s26, $0x1;
	_ =	strace $0x80000046;
	[dreg:$0x1] =	wrdreg $0xFFFFFFFF  }
0xa7: {  	s28 =	simm.s32 $_size_execute0_lowered;
	s3 =	sadd.s32 s3, s5;
	[dreg:$0x0] =	wrdreg $0x0  }
0xa8: {  	s5 =	sshll.u32 s28, $0x1;
	[dreg:$0x2] =	wrdreg s3  }
0xa9: {  	[dreg:$0x3] =	wrdreg s5  }
0xaa: {  	[dreg:$0x4] =	wrdreg $0xC0  }
0xab: {  	_ =	task [dreg:s7], $0x5FFFF  }
0xac: {  	[dreg:$0x1] =	wrdreg $0xFFFFFFFF  }
0xad: {  	[dreg:$0x0] =	wrdreg $0x60  }
0xae: {  	[dreg:$0x2] =	wrdreg s2  }
0xaf: {  	[dreg:$0x3] =	wrdreg s24  }
0xb0: {  	[dreg:$0x4] =	wrdreg $0xD000  }
0xb1: {  	[dreg:$0x5] =	wrdreg $0x9  }
0xb2: {  	_ =	task.clear_ibuf [dreg:s7], $0x6FFFF;
	_ =	strace $0x90000046  }
0xb3: {  	s29 =	simm.s32 $0x9;
	_ =	strace $0x80000048  }
0xb4: {  	_ =	swait.ge [sflag:s29], $0x1  }
0xb5: {  	[sflag:s29] =	ssyncadd.s32 $0xFFFFFFFF  }
0xb6: {  	_ =	strace $0x90000048  }
0xb7: {  	_ =	sfence  }
0xb8: {  	s30 =	sld [smem:$0x0];
	_ =	sdelay $0x2  }
0xb9: {  	s31 =	sshll.u32 s1, $0xD;
	s1 =	sshrl.u32 s1, $0x2  }
0xba: {  	s3 =	sand.u32 $0x4000, s31;
	s1 =	sadd.s32 s1, s30  }
0xbb: {  	s0 =	sor.u32 s3, s0;
	s1 =	sshll.u32 s1, $0x11  }
0xbc: {  	s0 =	sor.u32 s1, s0  }
0xbd: {  	s0 =	sadd.s32 $0x8F2B, s0  }
0xbe: {  	[sflag:s0] =	ssyncadd.remote.s32 $0x1  }
0xbf: {  	_ =	sfence.sel $0xFFFF  }
0xc0: {  	[dreg:$0x0] =	wrdreg $0xFFFFFFFF;
	(pc) =	sbr.abs _section_cstart, $3  }
0xc1: {  	[dreg:$0x1] =	wrdreg $0xFFFFFFFF  }
0xc2: {  	_ =	task.clear_ibuf [dreg:s7], $0x2FFFF;
	_ =	strace $0x9FFFFFFF  }
0xc3: {  	(tm) =	ssettm $0x7FFFFFFF  }
tec
execute0_lowered:
.L_overlay_start_1:
0x0: {  	(tag) =	ssettag $0x1  }
0x1: {  	s0 =	rddreg [dreg:$0x0]  }
0x2: {  	s1 =	rddreg [dreg:$0x1]  }
0x3: {  	s3 =	srdreg.scid;
	s11 =	stileid.u32  }
0x4: {  	s2 =	rddreg [dreg:$0x2];
	s28 =	simm.s32 $0x1;
	s29 =	simm.s32 $0x3  }
0x5: {  	s5 =	sand.u32 $0x1, s3;
	s4 =	sshll.u32 s11, $0x1;
	s3 =	simm.s32 $0x0  }
0x6: {  	p0 =	slt.u32 s11, $0x3;
	s14 =	sadd.s32 $0x1000, s1;
	s12 =	sor.u32 s5, s4  }
0x7: {  	s31 =	sshll.u32 s11, $0x6;
	[smem:$0x7FF] =	sst s3;
	s6 =	smul.u32 $0xC00, s12  }
0x8: {  	s4 =	sadd.s32 $0x800, s1;
	s5 =	ssub.s32 $0x2, s5;
	s7 =	smul.u32 $0xD00, s12  }
0x9: {  	_ =	strace $0x80000047;
	s19 =	sshrl.u32 s5, $0x1;
	s24 =	smul.u32 $0xD000, s12  }
0xa: {  	p5 =	sne.s32 s12, $0x1F;
	s12 =	simm.s32 $0xC00;
	s13 =	sadd.s32 $0x600, s6  }
0xb: {  	s15 =	ssub.s32 s5, s19;
	s19 =	sadd.s32 $0x187000, s1;
	s13 =	smov.u32 @p0 s7  }
0xc: {  	s1 =	simm.s32 $0x2;
	p1 =	slt.u32 s13, $0x179A1;
	s20 =	sshll.u32 s13, $0x4  }
0xd: {  	s21 =	sshrl.u32 s13, $0x3;
	p2 =	sgt.u32 s13, $0x184A0;
	p3 =	sgt.u32 s13, $0x183A0  }
0xe: {  	p4 =	sgt.u32 s13, $0x182A0;
	p6 =	sgt.u32 s13, $0x17AA0;
	p0 =	por !p0, !p1  }
0xf: {  	s5 =	sadd.s32 s14, s20;
	s6 =	sadd.s32 s0, s21;
	s0 =	sadd.s32 s24, s14  }
0x10: {  	s20 =	smax.u32 s15, $0x1;
	p1 =	sgt.u32 s13, $0x185A0;
	s21 =	simm.s32 $0x6  }
0x11: {  	s24 =	simm.s32 $0x80;
	s15 =	simm.s32 $0x4;
	p0 =	por !p0, !p0  }
0x12: {  	s7 =	sadd.s32 $0x1000, s5;
	s8 =	sadd.s32 $0x2000, s5;
	s9 =	sadd.s32 $0x3000, s5  }
0x13: {  	s10 =	sadd.s32 $0x4000, s5;
	s22 =	sadd.s32 $0x5000, s5;
	s23 =	sadd.s32 $0x6000, s5  }
0x14: {  	s18 =	sadd.s32 $0xC000, s0;
	s0 =	simm.s32 @!p4 $0x0;
	[dreg:$0x4] =	wrdreg s22  }
0x15: {  	[dreg:$0x5] =	wrdreg s23;
	s0 =	simm.s32 @p4 $0x1;
	p4 =	sgt.u32 s13, $0x181A0  }
0x16: {  	s16 =	sadd.s32 $0x7000, s5;
	[smem:$0x7F6] =	sst s0;
	s0 =	simm.s32 @!p4 $0x0  }
0x17: {  	[dreg:$0x6] =	wrdreg s16;
	s0 =	simm.s32 @p4 $0x1;
	p4 =	sgt.u32 s13, $0x180A0  }
0x18: {  	s25 =	sadd.s32 $0x8000, s5;
	[smem:$0x7F7] =	sst s0;
	s0 =	simm.s32 @!p4 $0x0  }
0x19: {  	[dreg:$0x7] =	wrdreg s25;
	s0 =	simm.s32 @p4 $0x1;
	p4 =	sgt.u32 s13, $0x17FA0  }
0x1a: {  	s26 =	sadd.s32 $0x9000, s5;
	[smem:$0x7F8] =	sst s0;
	s0 =	simm.s32 @!p4 $0x0  }
0x1b: {  	[dreg:$0x8] =	wrdreg s26;
	s0 =	simm.s32 @p4 $0x1;
	p4 =	sgt.u32 s13, $0x17EA0  }
0x1c: {  	s30 =	sadd.s32 $0xA000, s5;
	[smem:$0x7F9] =	sst s0;
	s0 =	simm.s32 @!p4 $0x0  }
0x1d: {  	[dreg:$0x9] =	wrdreg s30;
	s0 =	simm.s32 @p4 $0x1;
	p4 =	sgt.u32 s13, $0x17DA0  }
0x1e: {  	s17 =	sadd.s32 $0xB000, s5;
	[smem:$0x7FA] =	sst s0;
	s0 =	simm.s32 @!p4 $0x0  }
0x1f: {  	s22 =	sor.u32 $0x1C06, s31;
	s0 =	simm.s32 @p4 $0x1;
	p4 =	sgt.u32 s13, $0x17CA0  }
.Ltmp0:
0x20: {  	[smem:$0x7FB] =	sst s0;
	s0 =	simm.s32 @!p4 $0x0;
	(pc) =	sbr.rel .LBB2_1-.Ltmp0, $4  }
0x21: {  	s23 =	sshrl.u32 s2, $0x3;
	s0 =	simm.s32 @p4 $0x1;
	p4 =	sgt.u32 s13, $0x17BA0  }
0x22: {  	s25 =	simm.s32 $0x1100;
	[smem:$0x7FC] =	sst s0;
	s0 =	simm.s32 @!p4 $0x0  }
0x23: {  	s26 =	simm.s32 $0x5100;
	s16 =	simm.s32 $0x9100;
	s0 =	simm.s32 @p4 $0x1  }
0x24: {  	s13 =	simm.s32 $0xD100;
	[smem:$0x7FD] =	sst s0;
	s0 =	simm.s32 $0xC80  }
.LBB2_34:
0x25: {  	[tilespmem:s25], [sflag:$0x1] =	stream.indirect.gather [spmem:s2], $0x80, s12, s24, $0xb8;
	[tilespmem:$0x16100] =	vst v63  }
0x26: {  	_ = 	snop  }
0x27: {  	[tilespmem:s26], [sflag:$0x1] =	stream.indirect.gather [spmem:s2], $0x80, s0, s24, $0xb8;
	[tilespmem:$0x16100] =	vst v63  }
.LBB2_36:
0x28: {  	_ =	swait.ge [sflag:s1], $0x4000  }
0x29: {  	[sflag:s1] =	ssyncset.done $0x0  }
0x2a: {  	[sflag:s1] =	ssyncadd.s32 $0xFFFFC000  }
0x2b: {  	_ =	swait.ge [sflag:s1], $0x4000  }
0x2c: {  	[sflag:s1] =	ssyncset.done $0x0  }
0x2d: {  	s11 =	simm.s32 @p0 $0x1;
	[sflag:s1] =	ssyncadd.s32 $0xFFFFC000  }
0x2e: {  	[hbm4b:s17+s3] =	stream.linear.scatter [tilespmem:s16], [sflag:$0x4], $0x8000, $0x38;
	[tilespmem:$0x16100] =	vst v63  }
0x2f: {  	_ =	swait.ge @p0 [sflag:s11], $0x4000  }
0x30: {  	[sflag:s11] =	ssyncset.done @p0 $0x0  }
0x31: {  	[sflag:s11] =	ssyncadd.s32 @p0 $0xFFFFC000  }
0x32: {  	_ =	swait.ge @p0 [sflag:s11], $0x4000  }
0x33: {  	[sflag:s11] =	ssyncset.done @p0 $0x0  }
0x34: {  	s14 =	simm.s32 @p0 $0x1100;
	[sflag:s11] =	ssyncadd.s32 @p0 $0xFFFFC000;
	s11 =	simm.s32 @p0 $0x0  }
0x35: {  	[hbm4b:s18+s11] =	stream.linear.scatter @p0 [tilespmem:s14], [sflag:$0x3], $0x8000, $0x38;
	[tilespmem:$0x16100] =	vst v63  }
.LBB2_37:
0x36: {  	s11 =	simm.s32 @!p5 $0x80;
	s14 =	simm.s32 @!p5 $0xC00;
	s30 =	simm.s32 @!p5 $0x11100  }
0x37: {  	[tilespmem:s30], [sflag:$0x5] =	stream.indirect.gather @!p5 [spmem:s2], $0x80, s14, s11, $0xb8;
	[tilespmem:$0x16100] =	vst v63  }
0x38: {  	s31 =	simm.s32 @!p5 $0x15100;
	s11 =	simm.s32 @!p5 $0x20;
	s14 =	simm.s32 @!p5 $0xC80  }
0x39: {  	[tilespmem:s31], [sflag:$0x5] =	stream.indirect.gather @!p5 [spmem:s2], $0x80, s14, s11, $0xb8;
	[tilespmem:$0x16100] =	vst v63  }
0x3a: {  	s11 =	simm.s32 @!p5 $0x5  }
0x3b: {  	_ =	swait.ge @!p5 [sflag:s11], $0x4000  }
0x3c: {  	[sflag:s11] =	ssyncset.done @!p5 $0x0  }
0x3d: {  	[sflag:s11] =	ssyncadd.s32 @!p5 $0xFFFFC000  }
0x3e: {  	_ =	swait.ge @!p5 [sflag:s11], $0x1000  }
0x3f: {  	[sflag:s11] =	ssyncset.done @!p5 $0x0  }
0x40: {  	[sflag:s11] =	ssyncadd.s32 @!p5 $0xFFFFF000;
	s11 =	simm.s32 @!p5 $0x0  }
0x41: {  	[hbm4b:s19+s11] =	stream.linear.scatter @!p5 [tilespmem:s30], [sflag:$0x6], $0x5000, $0x38;
	[tilespmem:$0x16100] =	vst v63  }
0x42: {  	s11 =	simm.s32 @!p5 $0x6  }
0x43: {  	_ =	swait.ge @!p5 [sflag:s11], $0x5000  }
0x44: {  	[sflag:s11] =	ssyncset.done @!p5 $0x0  }
0x45: {  	s20 =	sadd.s32 $0xFFFFFFFF, s20;
	[sflag:s11] =	ssyncadd.s32 @!p5 $0xFFFFB000;
	s11 =	simm.s32 @!p6 $0x4  }
0x46: {  	p4 =	sne.s32 s20, $0x0;
	_ =	swait.ge @!p6 [sflag:s11], $0x8000  }
.Ltmp1:
0x47: {  	[sflag:s11] =	ssyncset.done @!p6 $0x0;
	(pc) =	sbr.rel @!p4 .LBB2_38-.Ltmp1, $4  }
0x48: {  	[sflag:s11] =	ssyncadd.s32 @!p6 $0xFFFF8000;
	s11 =	simm.s32 @p0 $0x3  }
0x49: {  	_ =	swait.ge @p0 [sflag:s11], $0x8000  }
0x4a: {  	[sflag:s11] =	ssyncset.done @p0 $0x0  }
0x4b: {  	[sflag:s11] =	ssyncadd.s32 @p0 $0xFFFF8000  }
.LBB2_1:
0x4c: {  	[tilespmem:s3], [sflag:$0x6] =	stream.linear.gather [hbm4b:s6+s3], $0xD00, $0x38;
	[tilespmem:$0x16100] =	vst v63  }
0x4d: {  	_ =	swait.ge [sflag:s21], $0xD00  }
0x4e: {  	[sflag:s21] =	ssyncset.done $0x0  }
.Ltmp2:
0x4f: {  	[sflag:s21] =	ssyncadd.s32 $0xFFFFF300;
	(pc) =	sbr.rel @p1 .LBB2_33-.Ltmp2, $4  }
0x50: {  	[spmem:s23], [sflag:s22] =	dma.local [hbm:s4], $0x800  }
0x51: {  	_ =	swait.ge [sflag:s21], $0x800  }
0x52: {  	[sflag:s21] =	ssyncset.done $0x0  }
0x53: {  	[sflag:s21] =	ssyncadd.s32 $0xFFFFF800  }
0x54: {  	[tilespmem:s25], [sflag:$0x1] =	stream.indirect.gather [spmem:s2], $0x80, s3, s24, $0xb8;
	[tilespmem:$0x16100] =	vst v63  }
0x55: {  	_ = 	snop  }
0x56: {  	[tilespmem:s26], [sflag:$0x1] =	stream.indirect.gather [spmem:s2], $0x80, s24, s24, $0xb8;
	[tilespmem:$0x16100] =	vst v63  }
0x57: {  	s14 =	simm.s32 @!p2 $0x80;
	s11 =	simm.s32 @!p2 $0x100;
	s30 =	simm.s32 @!p2 $0x9100  }
0x58: {  	[tilespmem:s30], [sflag:$0x2] =	stream.indirect.gather @!p2 [spmem:s2], $0x80, s11, s14, $0xb8;
	[tilespmem:$0x16100] =	vst v63  }
0x59: {  	s11 =	simm.s32 @!p2 $0x180;
	s30 =	simm.s32 @!p2 $0xD100  }
0x5a: {  	[tilespmem:s30], [sflag:$0x2] =	stream.indirect.gather @!p2 [spmem:s2], $0x80, s11, s14, $0xb8;
	[tilespmem:$0x16100] =	vst v63  }
0x5b: {  	_ =	swait.ge [sflag:s28], $0x4000  }
0x5c: {  	[sflag:s28] =	ssyncset.done $0x0  }
0x5d: {  	[sflag:s28] =	ssyncadd.s32 $0xFFFFC000  }
0x5e: {  	_ =	swait.ge [sflag:s28], $0x4000  }
0x5f: {  	[sflag:s28] =	ssyncset.done $0x0  }
.Ltmp3:
0x60: {  	[sflag:s28] =	ssyncadd.s32 $0xFFFFC000;
	(pc) =	sbr.rel @p3 .LBB2_4-.Ltmp3, $4  }
0x61: {  	[hbm4b:s5+s3] =	stream.linear.scatter [tilespmem:s25], [sflag:$0x3], $0x8000, $0x38;
	[tilespmem:$0x16100] =	vst v63  }
0x62: {  	_ =	swait.ge [sflag:s29], $0x8000  }
0x63: {  	[sflag:s29] =	ssyncset.done $0x0  }
0x64: {  	[sflag:s29] =	ssyncadd.s32 $0xFFFF8000  }
.Ltmp4:
0x65: {  	(pc) =	sbr.rel .LBB2_5-.Ltmp4, $4  }
0x66: {  	s11 =	simm.s32 $0x200  }
0x67: {  	[tilespmem:s25], [sflag:$0x1] =	stream.indirect.gather [spmem:s2], $0x80, s11, s24, $0xb8;
	[tilespmem:$0x16100] =	vst v63  }
0x68: {  	s31 =	simm.s32 $0x280  }
0x69: {  	[tilespmem:s26], [sflag:$0x1] =	stream.indirect.gather [spmem:s2], $0x80, s31, s24, $0xb8;
	[tilespmem:$0x16100] =	vst v63  }
.LBB2_4:
.Ltmp5:
0x6a: {  	(pc) =	sbr.rel @p2 .LBB2_33-.Ltmp5, $1  }
0x6b: {  	_ =	sdelay $0x3  }
.LBB2_5:
0x6c: {  	_ =	swait.ge [sflag:s1], $0x4000  }
0x6d: {  	[sflag:s1] =	ssyncset.done $0x0  }
0x6e: {  	[sflag:s1] =	ssyncadd.s32 $0xFFFFC000  }
0x6f: {  	_ =	swait.ge [sflag:s1], $0x4000  }
0x70: {  	[sflag:s1] =	ssyncset.done $0x0  }
0x71: {  	[sflag:s1] =	ssyncadd.s32 $0xFFFFC000  }
0x72: {  	[hbm4b:s7+s3] =	stream.linear.scatter [tilespmem:s16], [sflag:$0x4], $0x8000, $0x38;
	[tilespmem:$0x16100] =	vst v63  }
0x73: {  	_ =	swait.ge [sflag:s15], $0x8000  }
0x74: {  	s11 =	sld [smem:$0x7F6];
	_ =	sdelay $0x2  }
0x75: {  	p4 =	seq.s32 s11, $0x1  }
.Ltmp6:
0x76: {  	_ = 	snop;
	(pc) =	sbr.rel @p4 .LBB2_7-.Ltmp6, $3  }
0x77: {  	_ =	sdelay $0x1  }
0x78: {  	[sflag:s15] =	ssyncset.done $0x0  }
0x79: {  	[sflag:s15] =	ssyncadd.s32 $0xFFFF8000  }
.Ltmp7:
0x7a: {  	(pc) =	sbr.rel .LBB2_8-.Ltmp7, $4  }
0x7b: {  	s11 =	simm.s32 $0x300  }
0x7c: {  	[tilespmem:s16], [sflag:$0x2] =	stream.indirect.gather [spmem:s2], $0x80, s11, s24, $0xb8;
	[tilespmem:$0x16100] =	vst v63  }
0x7d: {  	s31 =	simm.s32 $0x380  }
0x7e: {  	[tilespmem:s13], [sflag:$0x2] =	stream.indirect.gather [spmem:s2], $0x80, s31, s24, $0xb8;
	[tilespmem:$0x16100] =	vst v63  }
.LBB2_7:
.Ltmp8:
0x7f: {  	(pc) =	sbr.rel @p3 .LBB2_33-.Ltmp8, $1  }
0x80: {  	_ =	sdelay $0x3  }
.LBB2_8:
0x81: {  	_ =	swait.ge [sflag:s28], $0x4000  }
0x82: {  	[sflag:s28] =	ssyncset.done $0x0  }
0x83: {  	[sflag:s28] =	ssyncadd.s32 $0xFFFFC000  }
0x84: {  	_ =	swait.ge [sflag:s28], $0x4000  }
0x85: {  	[sflag:s28] =	ssyncset.done $0x0  }
0x86: {  	[sflag:s28] =	ssyncadd.s32 $0xFFFFC000  }
0x87: {  	[hbm4b:s8+s3] =	stream.linear.scatter [tilespmem:s25], [sflag:$0x3], $0x8000, $0x38;
	[tilespmem:$0x16100] =	vst v63  }
0x88: {  	_ =	swait.ge [sflag:s29], $0x8000  }
0x89: {  	s11 =	sld [smem:$0x7F7];
	_ =	sdelay $0x2  }
0x8a: {  	p4 =	seq.s32 s11, $0x1  }
.Ltmp9:
0x8b: {  	_ = 	snop;
	(pc) =	sbr.rel @p4 .LBB2_10-.Ltmp9, $3  }
0x8c: {  	_ =	sdelay $0x1  }
0x8d: {  	[sflag:s29] =	ssyncset.done $0x0  }
0x8e: {  	[sflag:s29] =	ssyncadd.s32 $0xFFFF8000  }
.Ltmp10:
0x8f: {  	(pc) =	sbr.rel .LBB2_11-.Ltmp10, $4  }
0x90: {  	s11 =	simm.s32 $0x400  }
0x91: {  	[tilespmem:s25], [sflag:$0x1] =	stream.indirect.gather [spmem:s2], $0x80, s11, s24, $0xb8;
	[tilespmem:$0x16100] =	vst v63  }
0x92: {  	s31 =	simm.s32 $0x480  }
0x93: {  	[tilespmem:s26], [sflag:$0x1] =	stream.indirect.gather [spmem:s2], $0x80, s31, s24, $0xb8;
	[tilespmem:$0x16100] =	vst v63  }
.LBB2_10:
0x94: {  	s11 =	sld [smem:$0x7F6];
	_ =	sdelay $0x2  }
0x95: {  	p4 =	seq.s32 s11, $0x1  }
.Ltmp11:
0x96: {  	_ = 	snop;
	(pc) =	sbr.rel @p4 .LBB2_33-.Ltmp11, $1  }
0x97: {  	_ =	sdelay $0x3  }
.LBB2_11:
0x98: {  	_ =	swait.ge [sflag:s1], $0x4000  }
0x99: {  	[sflag:s1] =	ssyncset.done $0x0  }
0x9a: {  	[sflag:s1] =	ssyncadd.s32 $0xFFFFC000  }
0x9b: {  	_ =	swait.ge [sflag:s1], $0x4000  }
0x9c: {  	[sflag:s1] =	ssyncset.done $0x0  }
0x9d: {  	[sflag:s1] =	ssyncadd.s32 $0xFFFFC000  }
0x9e: {  	[hbm4b:s9+s3] =	stream.linear.scatter [tilespmem:s16], [sflag:$0x4], $0x8000, $0x38;
	[tilespmem:$0x16100] =	vst v63  }
0x9f: {  	_ =	swait.ge [sflag:s15], $0x8000  }
0xa0: {  	s11 =	sld [smem:$0x7F8];
	_ =	sdelay $0x2  }
0xa1: {  	p4 =	seq.s32 s11, $0x1  }
.Ltmp12:
0xa2: {  	_ = 	snop;
	(pc) =	sbr.rel @p4 .LBB2_13-.Ltmp12, $3  }
0xa3: {  	_ =	sdelay $0x1  }
0xa4: {  	[sflag:s15] =	ssyncset.done $0x0  }
0xa5: {  	[sflag:s15] =	ssyncadd.s32 $0xFFFF8000  }
.Ltmp13:
0xa6: {  	(pc) =	sbr.rel .LBB2_14-.Ltmp13, $4  }
0xa7: {  	s11 =	simm.s32 $0x500  }
0xa8: {  	[tilespmem:s16], [sflag:$0x2] =	stream.indirect.gather [spmem:s2], $0x80, s11, s24, $0xb8;
	[tilespmem:$0x16100] =	vst v63  }
0xa9: {  	s31 =	simm.s32 $0x580  }
0xaa: {  	[tilespmem:s13], [sflag:$0x2] =	stream.indirect.gather [spmem:s2], $0x80, s31, s24, $0xb8;
	[tilespmem:$0x16100] =	vst v63  }
.LBB2_13:
0xab: {  	s11 =	sld [smem:$0x7F7];
	_ =	sdelay $0x2  }
0xac: {  	p4 =	seq.s32 s11, $0x1  }
.Ltmp14:
0xad: {  	_ = 	snop;
	(pc) =	sbr.rel @p4 .LBB2_33-.Ltmp14, $1  }
0xae: {  	_ =	sdelay $0x3  }
.LBB2_14:
0xaf: {  	_ =	swait.ge [sflag:s28], $0x4000  }
0xb0: {  	[sflag:s28] =	ssyncset.done $0x0  }
0xb1: {  	[sflag:s28] =	ssyncadd.s32 $0xFFFFC000  }
0xb2: {  	_ =	swait.ge [sflag:s28], $0x4000  }
0xb3: {  	[sflag:s28] =	ssyncset.done $0x0  }
0xb4: {  	[sflag:s28] =	ssyncadd.s32 $0xFFFFC000  }
0xb5: {  	[hbm4b:s10+s3] =	stream.linear.scatter [tilespmem:s25], [sflag:$0x3], $0x8000, $0x38;
	[tilespmem:$0x16100] =	vst v63  }
0xb6: {  	_ =	swait.ge [sflag:s29], $0x8000  }
0xb7: {  	s11 =	sld [smem:$0x7F9];
	_ =	sdelay $0x2  }
0xb8: {  	p4 =	seq.s32 s11, $0x1  }
.Ltmp15:
0xb9: {  	_ = 	snop;
	(pc) =	sbr.rel @p4 .LBB2_16-.Ltmp15, $3  }
0xba: {  	_ =	sdelay $0x1  }
0xbb: {  	[sflag:s29] =	ssyncset.done $0x0  }
0xbc: {  	[sflag:s29] =	ssyncadd.s32 $0xFFFF8000  }
.Ltmp16:
0xbd: {  	(pc) =	sbr.rel .LBB2_17-.Ltmp16, $4  }
0xbe: {  	s11 =	simm.s32 $0x600  }
0xbf: {  	[tilespmem:s25], [sflag:$0x1] =	stream.indirect.gather [spmem:s2], $0x80, s11, s24, $0xb8;
	[tilespmem:$0x16100] =	vst v63  }
0xc0: {  	s31 =	simm.s32 $0x680  }
0xc1: {  	[tilespmem:s26], [sflag:$0x1] =	stream.indirect.gather [spmem:s2], $0x80, s31, s24, $0xb8;
	[tilespmem:$0x16100] =	vst v63  }
.LBB2_16:
0xc2: {  	s11 =	sld [smem:$0x7F8];
	_ =	sdelay $0x2  }
0xc3: {  	p4 =	seq.s32 s11, $0x1  }
.Ltmp17:
0xc4: {  	_ = 	snop;
	(pc) =	sbr.rel @p4 .LBB2_33-.Ltmp17, $1  }
0xc5: {  	_ =	sdelay $0x3  }
.LBB2_17:
0xc6: {  	_ =	swait.ge [sflag:s1], $0x4000  }
0xc7: {  	[sflag:s1] =	ssyncset.done $0x0  }
0xc8: {  	[sflag:s1] =	ssyncadd.s32 $0xFFFFC000  }
0xc9: {  	_ =	swait.ge [sflag:s1], $0x4000  }
0xca: {  	[sflag:s1] =	ssyncset.done $0x0  }
0xcb: {  	s11 =	rddreg [dreg:$0x4];
	[sflag:s1] =	ssyncadd.s32 $0xFFFFC000  }
0xcc: {  	[hbm4b:s11+s3] =	stream.linear.scatter [tilespmem:s16], [sflag:$0x4], $0x8000, $0x38;
	[tilespmem:$0x16100] =	vst v63  }
0xcd: {  	_ =	swait.ge [sflag:s15], $0x8000  }
0xce: {  	s31 =	sld [smem:$0x7FA];
	_ =	sdelay $0x2  }
0xcf: {  	p4 =	seq.s32 s31, $0x1  }
.Ltmp18:
0xd0: {  	_ = 	snop;
	(pc) =	sbr.rel @p4 .LBB2_19-.Ltmp18, $3  }
0xd1: {  	_ =	sdelay $0x1  }
0xd2: {  	[sflag:s15] =	ssyncset.done $0x0  }
0xd3: {  	[sflag:s15] =	ssyncadd.s32 $0xFFFF8000  }
.Ltmp19:
0xd4: {  	(pc) =	sbr.rel .LBB2_20-.Ltmp19, $4  }
0xd5: {  	s11 =	simm.s32 $0x700  }
0xd6: {  	[tilespmem:s16], [sflag:$0x2] =	stream.indirect.gather [spmem:s2], $0x80, s11, s24, $0xb8;
	[tilespmem:$0x16100] =	vst v63  }
0xd7: {  	s31 =	simm.s32 $0x780  }
0xd8: {  	[tilespmem:s13], [sflag:$0x2] =	stream.indirect.gather [spmem:s2], $0x80, s31, s24, $0xb8;
	[tilespmem:$0x16100] =	vst v63  }
.LBB2_19:
0xd9: {  	s11 =	sld [smem:$0x7F9];
	_ =	sdelay $0x2  }
0xda: {  	p4 =	seq.s32 s11, $0x1  }
.Ltmp20:
0xdb: {  	_ = 	snop;
	(pc) =	sbr.rel @p4 .LBB2_33-.Ltmp20, $1  }
0xdc: {  	_ =	sdelay $0x3  }
.LBB2_20:
0xdd: {  	_ =	swait.ge [sflag:s28], $0x4000  }
0xde: {  	[sflag:s28] =	ssyncset.done $0x0  }
0xdf: {  	[sflag:s28] =	ssyncadd.s32 $0xFFFFC000  }
0xe0: {  	_ =	swait.ge [sflag:s28], $0x4000  }
0xe1: {  	[sflag:s28] =	ssyncset.done $0x0  }
0xe2: {  	s11 =	rddreg [dreg:$0x5];
	[sflag:s28] =	ssyncadd.s32 $0xFFFFC000  }
0xe3: {  	[hbm4b:s11+s3] =	stream.linear.scatter [tilespmem:s25], [sflag:$0x3], $0x8000, $0x38;
	[tilespmem:$0x16100] =	vst v63  }
0xe4: {  	_ =	swait.ge [sflag:s29], $0x8000  }
0xe5: {  	s31 =	sld [smem:$0x7FB];
	_ =	sdelay $0x2  }
0xe6: {  	p4 =	seq.s32 s31, $0x1  }
.Ltmp21:
0xe7: {  	_ = 	snop;
	(pc) =	sbr.rel @p4 .LBB2_22-.Ltmp21, $3  }
0xe8: {  	_ =	sdelay $0x1  }
0xe9: {  	[sflag:s29] =	ssyncset.done $0x0  }
0xea: {  	[sflag:s29] =	ssyncadd.s32 $0xFFFF8000  }
.Ltmp22:
0xeb: {  	(pc) =	sbr.rel .LBB2_23-.Ltmp22, $4  }
0xec: {  	s11 =	simm.s32 $0x800  }
0xed: {  	[tilespmem:s25], [sflag:$0x1] =	stream.indirect.gather [spmem:s2], $0x80, s11, s24, $0xb8;
	[tilespmem:$0x16100] =	vst v63  }
0xee: {  	s31 =	simm.s32 $0x880  }
0xef: {  	[tilespmem:s26], [sflag:$0x1] =	stream.indirect.gather [spmem:s2], $0x80, s31, s24, $0xb8;
	[tilespmem:$0x16100] =	vst v63  }
.LBB2_22:
0xf0: {  	s11 =	sld [smem:$0x7FA];
	_ =	sdelay $0x2  }
0xf1: {  	p4 =	seq.s32 s11, $0x1  }
.Ltmp23:
0xf2: {  	_ = 	snop;
	(pc) =	sbr.rel @p4 .LBB2_33-.Ltmp23, $1  }
0xf3: {  	_ =	sdelay $0x3  }
.LBB2_23:
0xf4: {  	_ =	swait.ge [sflag:s1], $0x4000  }
0xf5: {  	[sflag:s1] =	ssyncset.done $0x0  }
0xf6: {  	[sflag:s1] =	ssyncadd.s32 $0xFFFFC000  }
0xf7: {  	_ =	swait.ge [sflag:s1], $0x4000  }
0xf8: {  	[sflag:s1] =	ssyncset.done $0x0  }
0xf9: {  	s11 =	rddreg [dreg:$0x6];
	[sflag:s1] =	ssyncadd.s32 $0xFFFFC000  }
0xfa: {  	[hbm4b:s11+s3] =	stream.linear.scatter [tilespmem:s16], [sflag:$0x4], $0x8000, $0x38;
	[tilespmem:$0x16100] =	vst v63  }
0xfb: {  	_ =	swait.ge [sflag:s15], $0x8000  }
0xfc: {  	s31 =	sld [smem:$0x7FC];
	_ =	sdelay $0x2  }
0xfd: {  	p4 =	seq.s32 s31, $0x1  }
.Ltmp24:
0xfe: {  	_ = 	snop;
	(pc) =	sbr.rel @p4 .LBB2_25-.Ltmp24, $3  }
0xff: {  	_ =	sdelay $0x1  }
0x100: {  	[sflag:s15] =	ssyncset.done $0x0  }
0x101: {  	[sflag:s15] =	ssyncadd.s32 $0xFFFF8000  }
.Ltmp25:
0x102: {  	(pc) =	sbr.rel .LBB2_26-.Ltmp25, $4  }
0x103: {  	s11 =	simm.s32 $0x900  }
0x104: {  	[tilespmem:s16], [sflag:$0x2] =	stream.indirect.gather [spmem:s2], $0x80, s11, s24, $0xb8;
	[tilespmem:$0x16100] =	vst v63  }
0x105: {  	s31 =	simm.s32 $0x980  }
0x106: {  	[tilespmem:s13], [sflag:$0x2] =	stream.indirect.gather [spmem:s2], $0x80, s31, s24, $0xb8;
	[tilespmem:$0x16100] =	vst v63  }
.LBB2_25:
0x107: {  	s11 =	sld [smem:$0x7FB];
	_ =	sdelay $0x2  }
0x108: {  	p4 =	seq.s32 s11, $0x1  }
.Ltmp26:
0x109: {  	_ = 	snop;
	(pc) =	sbr.rel @p4 .LBB2_33-.Ltmp26, $1  }
0x10a: {  	_ =	sdelay $0x3  }
.LBB2_26:
0x10b: {  	_ =	swait.ge [sflag:s28], $0x4000  }
0x10c: {  	[sflag:s28] =	ssyncset.done $0x0  }
0x10d: {  	[sflag:s28] =	ssyncadd.s32 $0xFFFFC000  }
0x10e: {  	_ =	swait.ge [sflag:s28], $0x4000  }
0x10f: {  	[sflag:s28] =	ssyncset.done $0x0  }
0x110: {  	s11 =	rddreg [dreg:$0x7];
	[sflag:s28] =	ssyncadd.s32 $0xFFFFC000  }
0x111: {  	[hbm4b:s11+s3] =	stream.linear.scatter [tilespmem:s25], [sflag:$0x3], $0x8000, $0x38;
	[tilespmem:$0x16100] =	vst v63  }
0x112: {  	_ =	swait.ge [sflag:s29], $0x8000  }
0x113: {  	s31 =	sld [smem:$0x7FD];
	_ =	sdelay $0x2  }
0x114: {  	p4 =	seq.s32 s31, $0x1  }
.Ltmp27:
0x115: {  	_ = 	snop;
	(pc) =	sbr.rel @p4 .LBB2_28-.Ltmp27, $3  }
0x116: {  	_ =	sdelay $0x1  }
0x117: {  	[sflag:s29] =	ssyncset.done $0x0  }
0x118: {  	[sflag:s29] =	ssyncadd.s32 $0xFFFF8000  }
.Ltmp28:
0x119: {  	(pc) =	sbr.rel .LBB2_29-.Ltmp28, $4  }
0x11a: {  	s11 =	simm.s32 $0xA00  }
0x11b: {  	[tilespmem:s25], [sflag:$0x1] =	stream.indirect.gather [spmem:s2], $0x80, s11, s24, $0xb8;
	[tilespmem:$0x16100] =	vst v63  }
0x11c: {  	s31 =	simm.s32 $0xA80  }
0x11d: {  	[tilespmem:s26], [sflag:$0x1] =	stream.indirect.gather [spmem:s2], $0x80, s31, s24, $0xb8;
	[tilespmem:$0x16100] =	vst v63  }
.LBB2_28:
0x11e: {  	s11 =	sld [smem:$0x7FC];
	_ =	sdelay $0x2  }
0x11f: {  	p4 =	seq.s32 s11, $0x1  }
.Ltmp29:
0x120: {  	_ = 	snop;
	(pc) =	sbr.rel @p4 .LBB2_33-.Ltmp29, $1  }
0x121: {  	_ =	sdelay $0x3  }
.LBB2_29:
0x122: {  	_ =	swait.ge [sflag:s1], $0x4000  }
0x123: {  	[sflag:s1] =	ssyncset.done $0x0  }
0x124: {  	[sflag:s1] =	ssyncadd.s32 $0xFFFFC000  }
0x125: {  	_ =	swait.ge [sflag:s1], $0x4000  }
0x126: {  	[sflag:s1] =	ssyncset.done $0x0  }
.Ltmp30:
0x127: {  	s11 =	rddreg [dreg:$0x8];
	[sflag:s1] =	ssyncadd.s32 $0xFFFFC000;
	(pc) =	sbr.rel @p6 .LBB2_31-.Ltmp30, $4  }
0x128: {  	[hbm4b:s11+s3] =	stream.linear.scatter [tilespmem:s16], [sflag:$0x4], $0x8000, $0x38;
	[tilespmem:$0x16100] =	vst v63  }
0x129: {  	_ =	swait.ge [sflag:s15], $0x8000  }
0x12a: {  	[sflag:s15] =	ssyncset.done $0x0  }
0x12b: {  	[sflag:s15] =	ssyncadd.s32 $0xFFFF8000  }
.Ltmp31:
0x12c: {  	(pc) =	sbr.rel .LBB2_32-.Ltmp31, $4  }
0x12d: {  	s11 =	simm.s32 $0xB00  }
0x12e: {  	[tilespmem:s16], [sflag:$0x2] =	stream.indirect.gather [spmem:s2], $0x80, s11, s24, $0xb8;
	[tilespmem:$0x16100] =	vst v63  }
0x12f: {  	s31 =	simm.s32 $0xB80  }
0x130: {  	[tilespmem:s13], [sflag:$0x2] =	stream.indirect.gather [spmem:s2], $0x80, s31, s24, $0xb8;
	[tilespmem:$0x16100] =	vst v63  }
.LBB2_31:
0x131: {  	s11 =	sld [smem:$0x7FD];
	_ =	sdelay $0x2  }
0x132: {  	p4 =	seq.s32 s11, $0x1  }
.Ltmp32:
0x133: {  	_ = 	snop;
	(pc) =	sbr.rel @p4 .LBB2_37-.Ltmp32, $1  }
0x134: {  	_ =	sdelay $0x3  }
.LBB2_32:
0x135: {  	_ =	swait.ge [sflag:s28], $0x4000  }
0x136: {  	[sflag:s28] =	ssyncset.done $0x0  }
0x137: {  	[sflag:s28] =	ssyncadd.s32 $0xFFFFC000  }
0x138: {  	_ =	swait.ge [sflag:s28], $0x4000  }
0x139: {  	[sflag:s28] =	ssyncset.done $0x0  }
0x13a: {  	s11 =	rddreg [dreg:$0x9];
	[sflag:s28] =	ssyncadd.s32 $0xFFFFC000  }
0x13b: {  	[hbm4b:s11+s3] =	stream.linear.scatter [tilespmem:s25], [sflag:$0x3], $0x8000, $0x38;
	[tilespmem:$0x16100] =	vst v63  }
0x13c: {  	_ =	swait.ge [sflag:s29], $0x8000  }
0x13d: {  	[sflag:s29] =	ssyncset.done $0x0  }
0x13e: {  	[sflag:s29] =	ssyncadd.s32 $0xFFFF8000  }
.LBB2_33:
.Ltmp33:
0x13f: {  	(pc) =	sbr.rel @p0 .LBB2_34-.Ltmp33, $1  }
0x140: {  	_ =	sdelay $0x3  }
.Ltmp34:
0x141: {  	(pc) =	sbr.rel @p6 .LBB2_37-.Ltmp34, $4  }
.Ltmp35:
0x142: {  	(pc) =	sbr.rel @!p6 .LBB2_36-.Ltmp35, $4  }
0x143: {  	_ = 	snop  }
0x144: {  	_ = 	snop  }
0x145: {  	_ = 	snop  }
0x146: {  	_ = 	snop  }
.LBB2_38:
0x147: {  	_ =	sfence.sel $0x180000  }
0x148: {  	[bflag:$0x0] =	sbarrier.arrive $0xFFFF  }
0x149: {  	_ =	strace $0x90000047  }
0x14a: {  	s0 =	stileid.u32;
	[bflag:$0x2] =	sbarrier.arrive $0xFFFF  }
0x14b: {  	p0 =	sne.s32 s0, $0x0;
	s0 =	rddreg [dreg:$0x3]  }
0x14c: {  	s0 =	sadd.s32 @!p0 $0x100000, s0  }
0x14d: {  	[sflag:s0] =	ssyncadd.tile.s32 @!p0 $0x1;
	_ =	shalt  }
.Lfunc_end2:
_tile_overlayer_lowered:
.L_overlay_start_2:
0x14e: {  	(tag) =	ssettag $0x2  }
0x14f: {  	s0 =	rddreg [dreg:$0x0];
	s2 =	stileid.u32  }
0x150: {  	s1 =	rddreg [dreg:$0x1];
	p0 =	sne.s32 s2, $0x0  }
0x151: {  	s3 =	rddreg [dreg:$0x2];
	[bflag:$0x3] =	sbarrier.arrive $0xFFFF;
	s2 =	simm.s32 @!p0 $0x1C06  }
0x152: {  	[timem:s3], [sflag:s2] =	dma.local @!p0 [hbm:s0], s1  }
0x153: {  	s0 =	simm.s32 @!p0 $0x6  }
0x154: {  	_ =	swait.ge @!p0 [sflag:s0], s1  }
0x155: {  	s1 =	ssub.s32 @!p0 $0x0, s1;
	[sflag:s0] =	ssyncset.done @!p0 $0x0  }
0x156: {  	[sflag:s0] =	ssyncadd.s32 @!p0 s1  }
0x157: {  	[bflag:$0x3] =	sbarrier.arrive $0xFFFF  }
0x158: {  	_ =	shalt  }

</sc_bundles>
